<compile_context>
chip_gen: v7x
topology: tpu7x:2x2x1
jax: 0.10.2.dev20260603
libtpu: 0.0.44.dev20260713+nightly
codegen_flags: <defaults>
</compile_context>

<pallas_src>
import functools

import jax
import jax.numpy as jnp
from jax import lax
from jax.experimental import pallas as pl
from jax.experimental.pallas import tpu as pltpu
from jax.experimental.pallas import tpu_sc as plsc

VOCAB = 30522
HID = 1024
MAXLEN = 2048
BATCH = 4
NLANES = 16
NCORES = 2
NSUBCORES = 16
NWORKERS = NCORES * NSUBCORES
NBLK = MAXLEN // NWORKERS
GPOS = 8
NGRP = NBLK // GPOS
GROWS = GPOS * BATCH
HSLICES = HID // NLANES
NPAIR = NGRP // 2

_mesh = plsc.VectorSubcoreMesh(core_axis_name="c", subcore_axis_name="s")


@functools.partial(
    pl.kernel,
    out_type=jax.ShapeDtypeStruct((BATCH, MAXLEN, HID), jnp.float32),
    mesh=_mesh,
    scratch_types=[
        pltpu.VMEM((BATCH, NBLK), jnp.int32),
        pltpu.VMEM((BATCH, NBLK + NLANES), jnp.int32),
        pltpu.VMEM((2, HID), jnp.float32),
        pltpu.VMEM((2, GPOS, HID), jnp.float32),
        pltpu.VMEM((2, GROWS, HID), jnp.float32),
        pltpu.SemaphoreType.DMA,
        pltpu.SemaphoreType.DMA,
        pltpu.SemaphoreType.DMA,
        pltpu.SemaphoreType.DMA,
        pltpu.SemaphoreType.DMA,
        pltpu.SemaphoreType.DMA,
        pltpu.SemaphoreType.DMA,
    ],
)
def _embed(tokens_hbm, segments_hbm, table_hbm, segtab_hbm, pos_hbm,
           out_hbm, idx_v, seg_v, segtab_v, pos_v, tok_v,
           sem_pre, sem_g0, sem_g1, sem_o0, sem_o1, sem_pA, sem_pB):
    wid = lax.axis_index("s") * NCORES + lax.axis_index("c")
    l0 = wid * NBLK
    sem_g = (sem_g0, sem_g1)
    sem_o = (sem_o0, sem_o1)
    sem_p = (sem_pA, sem_pB)

    pre = []
    for b in range(BATCH):
        pre.append(pltpu.async_copy(
            tokens_hbm.at[b, pl.ds(l0, NBLK)], idx_v.at[b], sem_pre))
        pre.append(pltpu.async_copy(
            segments_hbm.at[b, pl.ds(l0, NBLK)],
            seg_v.at[b, pl.ds(0, NBLK)], sem_pre))
    pre.append(pltpu.async_copy(segtab_hbm, segtab_v, sem_pre))
    for cp in pre:
        cp.wait()

    def start_gathers(g, buf):
        for b in range(BATCH):
            pltpu.async_copy(
                table_hbm.at[idx_v.at[b, pl.ds(g * GPOS, GPOS)]],
                tok_v.at[buf, pl.ds(b * GPOS, GPOS)], sem_g[buf])

    def start_pos(g, slot):
        pltpu.async_copy(
            pos_hbm.at[pl.ds(l0 + g * GPOS, GPOS)], pos_v.at[slot],
            sem_p[slot])

    def start_scats(g, buf):
        for b in range(BATCH):
            pltpu.async_copy(
                tok_v.at[buf, pl.ds(b * GPOS, GPOS)],
                out_hbm.at[b, pl.ds(l0 + g * GPOS, GPOS)], sem_o[buf])

    def wait_gathers(buf):
        pltpu.make_async_copy(
            table_hbm.at[pl.ds(0, GROWS)], tok_v.at[buf], sem_g[buf]).wait()

    def wait_pos(slot):
        pltpu.make_async_copy(
            pos_hbm.at[pl.ds(0, GPOS)], pos_v.at[slot], sem_p[slot]).wait()

    def wait_scats(buf):
        pltpu.make_async_copy(
            tok_v.at[buf], out_hbm.at[0, pl.ds(0, GROWS)], sem_o[buf]).wait()

    def compute(g, buf, slot):
        @plsc.parallel_loop(0, GPOS, unroll=1)
        def row_body(r):
            sf = []
            for b in range(BATCH):
                s = seg_v[b, pl.ds(g * GPOS + r, NLANES)][0]
                sf.append(lax.broadcast(s.astype(jnp.float32), (NLANES,)))

            @plsc.parallel_loop(0, HSLICES, unroll=8)
            def _add(h):
                sl = pl.ds(h * NLANES, NLANES)
                sg0 = segtab_v[0, sl]
                sg1 = segtab_v[1, sl]
                p = pos_v[slot, r, sl]
                psg0 = p + sg0
                dps = sg1 - sg0
                for b in range(BATCH):
                    row = b * GPOS + r
                    t = tok_v[buf, row, sl]
                    tok_v[buf, row, sl] = t + psg0 + sf[b] * dps


    start_gathers(0, 0)
    start_pos(0, 0)

    def pair_body(k, carry):
        g0 = 2 * k
        g1 = 2 * k + 1

        @pl.when(k > 0)
        def _():
            wait_scats(1)
        start_gathers(g1, 1)
        start_pos(g1, 1)
        wait_gathers(0)
        wait_pos(0)
        compute(g0, 0, 0)
        start_scats(g0, 0)

        wait_scats(0)
        @pl.when(k + 1 < NPAIR)
        def _():
            start_gathers(g0 + 2, 0)
            start_pos(g0 + 2, 0)
        wait_gathers(1)
        wait_pos(1)
        compute(g1, 1, 1)
        start_scats(g1, 1)
        return carry

    lax.fori_loop(0, NPAIR, pair_body, 0)
    wait_scats(1)


def kernel(tokens, segments, token_table, segment_table, pos_weight):
    return _embed(tokens, segments, token_table, segment_table, pos_weight)

# --- scband reference (transcript-rebuilt; emitter-appended) ---
"""Pipeline reference for scband-bertencoder-37761352466834 (READ-ONLY COPY).

The authoritative reference and input builder live on the scoring server;
editing this copy changes nothing except your own understanding.
"""

import jax, jax.numpy as jnp
import numpy as np

VOCAB = 30522
HID = 1024
MAXLEN = 2048
BATCH = 4

def setup_inputs(seed: int = 0) -> dict:
    key = jax.random.key(seed)
    k1, k2, k3, k4, k5 = jax.random.split(key, 5)
    tokens = jax.random.randint(k1, (BATCH, MAXLEN), 0, VOCAB, dtype=jnp.int64 if jax.config.jax_enable_x64 else jnp.int32)
    segments = jax.random.randint(k2, (BATCH, MAXLEN), 0, 2, dtype=jnp.int64 if jax.config.jax_enable_x64 else jnp.int32)
    token_table = jax.random.normal(k3, (VOCAB, HID), dtype=jnp.float32) * 0.02
    segment_table = jax.random.normal(k4, (2, HID), dtype=jnp.float32) * 0.02
    pos_weight = jax.random.normal(k5, (MAXLEN, HID), dtype=jnp.float32) * 0.02
    return {"tokens": tokens, "segments": segments, "token_table": token_table, "segment_table": segment_table, "pos_weight": pos_weight}

def reference(tokens, segments, token_table, segment_table, pos_weight):
    # token embedding lookup
    output1 = jnp.take(token_table, tokens, axis=0)          # [B, L, H]
    # add segment embedding
    output2 = output1 + jnp.take(segment_table, segments, axis=0)  # [B, L, H]
    # add learned positional parameter (broadcast over batch)
    output3 = output2 + pos_weight[None, :, :]               # [B, L, H]
    return output3

if __name__ == "__main__":
    import jax
    _d = setup_inputs()
    print(jax.jit(kernel)(*tuple(_d.values())))

</pallas_src>

<mosaic_0001>
#map = affine_map<(d0, d1) -> (0, 0)>
#map1 = affine_map<(d0, d1) -> (0, 0, 0)>
module attributes {stable_mosaic.version = 14 : i64} {
  func.func @_embed(%arg0: i32, %arg1: i32, %arg2: memref<4x2048xi32, #tpu.memory_space<hbm>>, %arg3: memref<4x2048xi32, #tpu.memory_space<hbm>>, %arg4: memref<30522x1024xf32, #tpu.memory_space<hbm>>, %arg5: memref<2x1024xf32, #tpu.memory_space<hbm>>, %arg6: memref<2048x1024xf32, #tpu.memory_space<hbm>>, %arg7: memref<4x2048x1024xf32, #tpu.memory_space<hbm>>, %arg8: memref<4x64xi32, #tpu.memory_space<vmem>>, %arg9: memref<4x80xi32, #tpu.memory_space<vmem>>, %arg10: memref<2x1024xf32, #tpu.memory_space<vmem>>, %arg11: memref<2x8x1024xf32, #tpu.memory_space<vmem>>, %arg12: memref<2x32x1024xf32, #tpu.memory_space<vmem>>, %arg13: memref<!tpu.dma_semaphore, #tpu.memory_space<semaphore_mem>>, %arg14: memref<!tpu.dma_semaphore, #tpu.memory_space<semaphore_mem>>, %arg15: memref<!tpu.dma_semaphore, #tpu.memory_space<semaphore_mem>>, %arg16: memref<!tpu.dma_semaphore, #tpu.memory_space<semaphore_mem>>, %arg17: memref<!tpu.dma_semaphore, #tpu.memory_space<semaphore_mem>>, %arg18: memref<!tpu.dma_semaphore, #tpu.memory_space<semaphore_mem>>, %arg19: memref<!tpu.dma_semaphore, #tpu.memory_space<semaphore_mem>>) attributes {dimension_semantics = [#tpu.dimension_semantics<core_parallel>, #tpu.dimension_semantics<subcore_parallel>], iteration_bounds = array<i64: 2, 16>, scalar_prefetch = 0 : i64, scratch_operands = 12 : i64, tpu.core_type = #tpu.core_type<sc_vector_subcore>, window_params = [{transform_indices = #map}, {transform_indices = #map}, {transform_indices = #map}, {transform_indices = #map}, {transform_indices = #map}, {transform_indices = #map1}]} {
    %mul3A = arith.constant 2 : i32
    %mul3A_0 = arith.muli %arg1, %mul3A : i32
    %add3A = arith.addi %mul3A_0, %arg0 : i32
    %mul3A_1 = arith.constant 64 : i32
    %mul3A_2 = arith.muli %add3A, %mul3A_1 : i32
    %dma_start3A = arith.constant 0 : i32
    %dma_start3A_3 = arith.constant 0 : i32
    %dma_start3A_4 = arith.constant 0 : i32
    %dma_start3A_5 = tpu.memref_slice %arg8[%dma_start3A_3, %dma_start3A_4] : memref<4x64xi32, #tpu.memory_space<vmem>> -> memref<1x64xi32, #tpu.memory_space<vmem>>
    %dma_start3A_6 = tpu.memref_squeeze %dma_start3A_5 : memref<1x64xi32, #tpu.memory_space<vmem>> -> memref<64xi32, #tpu.memory_space<vmem>>
    %dma_start3A_7 = tpu.memref_slice %arg2[%dma_start3A, %mul3A_2] : memref<4x2048xi32, #tpu.memory_space<hbm>> -> memref<1x64xi32, #tpu.memory_space<hbm>>
    %dma_start3A_8 = tpu.memref_squeeze %dma_start3A_7 : memref<1x64xi32, #tpu.memory_space<hbm>> -> memref<64xi32, #tpu.memory_space<hbm>>
    %dma_start3A_9 = arith.constant 0 : i32
    %dma_start3A_10 = tpu.memref_slice %arg8[%dma_start3A_3, %dma_start3A_9] : memref<4x64xi32, #tpu.memory_space<vmem>> -> memref<1x64xi32, #tpu.memory_space<vmem>>
    %dma_start3A_11 = tpu.memref_squeeze %dma_start3A_10 : memref<1x64xi32, #tpu.memory_space<vmem>> -> memref<64xi32, #tpu.memory_space<vmem>>
    %dma_start3A_12 = tpu.memref_slice %arg2[%dma_start3A, %mul3A_2] : memref<4x2048xi32, #tpu.memory_space<hbm>> -> memref<1x64xi32, #tpu.memory_space<hbm>>
    %dma_start3A_13 = tpu.memref_squeeze %dma_start3A_12 : memref<1x64xi32, #tpu.memory_space<hbm>> -> memref<64xi32, #tpu.memory_space<hbm>>
    tpu.enqueue_dma source(%dma_start3A_13 : memref<64xi32, #tpu.memory_space<hbm>>) target(%dma_start3A_11 : memref<64xi32, #tpu.memory_space<vmem>>) target_semaphore(%arg13 : memref<!tpu.dma_semaphore, #tpu.memory_space<semaphore_mem>>)
    %dma_start3A_14 = arith.constant 0 : i32
    %dma_start3A_15 = arith.constant 0 : i32
    %dma_start3A_16 = arith.constant 0 : i32
    %dma_start3A_17 = tpu.memref_slice %arg9[%dma_start3A_15, %dma_start3A_16] : memref<4x80xi32, #tpu.memory_space<vmem>> -> memref<1x64xi32, #tpu.memory_space<vmem>>
    %dma_start3A_18 = tpu.memref_squeeze %dma_start3A_17 : memref<1x64xi32, #tpu.memory_space<vmem>> -> memref<64xi32, #tpu.memory_space<vmem>>
    %dma_start3A_19 = tpu.memref_slice %arg3[%dma_start3A_14, %mul3A_2] : memref<4x2048xi32, #tpu.memory_space<hbm>> -> memref<1x64xi32, #tpu.memory_space<hbm>>
    %dma_start3A_20 = tpu.memref_squeeze %dma_start3A_19 : memref<1x64xi32, #tpu.memory_space<hbm>> -> memref<64xi32, #tpu.memory_space<hbm>>
    %dma_start3A_21 = arith.constant 0 : i32
    %dma_start3A_22 = tpu.memref_slice %arg9[%dma_start3A_15, %dma_start3A_21] : memref<4x80xi32, #tpu.memory_space<vmem>> -> memref<1x64xi32, #tpu.memory_space<vmem>>
    %dma_start3A_23 = tpu.memref_squeeze %dma_start3A_22 : memref<1x64xi32, #tpu.memory_space<vmem>> -> memref<64xi32, #tpu.memory_space<vmem>>
    %dma_start3A_24 = tpu.memref_slice %arg3[%dma_start3A_14, %mul3A_2] : memref<4x2048xi32, #tpu.memory_space<hbm>> -> memref<1x64xi32, #tpu.memory_space<hbm>>
    %dma_start3A_25 = tpu.memref_squeeze %dma_start3A_24 : memref<1x64xi32, #tpu.memory_space<hbm>> -> memref<64xi32, #tpu.memory_space<hbm>>
    tpu.enqueue_dma source(%dma_start3A_25 : memref<64xi32, #tpu.memory_space<hbm>>) target(%dma_start3A_23 : memref<64xi32, #tpu.memory_space<vmem>>) target_semaphore(%arg13 : memref<!tpu.dma_semaphore, #tpu.memory_space<semaphore_mem>>)
    %dma_start3A_26 = arith.constant 1 : i32
    %dma_start3A_27 = arith.constant 1 : i32
    %dma_start3A_28 = arith.constant 0 : i32
    %dma_start3A_29 = tpu.memref_slice %arg8[%dma_start3A_27, %dma_start3A_28] : memref<4x64xi32, #tpu.memory_space<vmem>> -> memref<1x64xi32, #tpu.memory_space<vmem>>
    %dma_start3A_30 = tpu.memref_squeeze %dma_start3A_29 : memref<1x64xi32, #tpu.memory_space<vmem>> -> memref<64xi32, #tpu.memory_space<vmem>>
    %dma_start3A_31 = tpu.memref_slice %arg2[%dma_start3A_26, %mul3A_2] : memref<4x2048xi32, #tpu.memory_space<hbm>> -> memref<1x64xi32, #tpu.memory_space<hbm>>
    %dma_start3A_32 = tpu.memref_squeeze %dma_start3A_31 : memref<1x64xi32, #tpu.memory_space<hbm>> -> memref<64xi32, #tpu.memory_space<hbm>>
    %dma_start3A_33 = arith.constant 0 : i32
    %dma_start3A_34 = tpu.memref_slice %arg8[%dma_start3A_27, %dma_start3A_33] : memref<4x64xi32, #tpu.memory_space<vmem>> -> memref<1x64xi32, #tpu.memory_space<vmem>>
    %dma_start3A_35 = tpu.memref_squeeze %dma_start3A_34 : memref<1x64xi32, #tpu.memory_space<vmem>> -> memref<64xi32, #tpu.memory_space<vmem>>
    %dma_start3A_36 = tpu.memref_slice %arg2[%dma_start3A_26, %mul3A_2] : memref<4x2048xi32, #tpu.memory_space<hbm>> -> memref<1x64xi32, #tpu.memory_space<hbm>>
    %dma_start3A_37 = tpu.memref_squeeze %dma_start3A_36 : memref<1x64xi32, #tpu.memory_space<hbm>> -> memref<64xi32, #tpu.memory_space<hbm>>
    tpu.enqueue_dma source(%dma_start3A_37 : memref<64xi32, #tpu.memory_space<hbm>>) target(%dma_start3A_35 : memref<64xi32, #tpu.memory_space<vmem>>) target_semaphore(%arg13 : memref<!tpu.dma_semaphore, #tpu.memory_space<semaphore_mem>>)
    %dma_start3A_38 = arith.constant 1 : i32
    %dma_start3A_39 = arith.constant 1 : i32
    %dma_start3A_40 = arith.constant 0 : i32
    %dma_start3A_41 = tpu.memref_slice %arg9[%dma_start3A_39, %dma_start3A_40] : memref<4x80xi32, #tpu.memory_space<vmem>> -> memref<1x64xi32, #tpu.memory_space<vmem>>
    %dma_start3A_42 = tpu.memref_squeeze %dma_start3A_41 : memref<1x64xi32, #tpu.memory_space<vmem>> -> memref<64xi32, #tpu.memory_space<vmem>>
    %dma_start3A_43 = tpu.memref_slice %arg3[%dma_start3A_38, %mul3A_2] : memref<4x2048xi32, #tpu.memory_space<hbm>> -> memref<1x64xi32, #tpu.memory_space<hbm>>
    %dma_start3A_44 = tpu.memref_squeeze %dma_start3A_43 : memref<1x64xi32, #tpu.memory_space<hbm>> -> memref<64xi32, #tpu.memory_space<hbm>>
    %dma_start3A_45 = arith.constant 0 : i32
    %dma_start3A_46 = tpu.memref_slice %arg9[%dma_start3A_39, %dma_start3A_45] : memref<4x80xi32, #tpu.memory_space<vmem>> -> memref<1x64xi32, #tpu.memory_space<vmem>>
    %dma_start3A_47 = tpu.memref_squeeze %dma_start3A_46 : memref<1x64xi32, #tpu.memory_space<vmem>> -> memref<64xi32, #tpu.memory_space<vmem>>
    %dma_start3A_48 = tpu.memref_slice %arg3[%dma_start3A_38, %mul3A_2] : memref<4x2048xi32, #tpu.memory_space<hbm>> -> memref<1x64xi32, #tpu.memory_space<hbm>>
    %dma_start3A_49 = tpu.memref_squeeze %dma_start3A_48 : memref<1x64xi32, #tpu.memory_space<hbm>> -> memref<64xi32, #tpu.memory_space<hbm>>
    tpu.enqueue_dma source(%dma_start3A_49 : memref<64xi32, #tpu.memory_space<hbm>>) target(%dma_start3A_47 : memref<64xi32, #tpu.memory_space<vmem>>) target_semaphore(%arg13 : memref<!tpu.dma_semaphore, #tpu.memory_space<semaphore_mem>>)
    %dma_start3A_50 = arith.constant 2 : i32
    %dma_start3A_51 = arith.constant 2 : i32
    %dma_start3A_52 = arith.constant 0 : i32
    %dma_start3A_53 = tpu.memref_slice %arg8[%dma_start3A_51, %dma_start3A_52] : memref<4x64xi32, #tpu.memory_space<vmem>> -> memref<1x64xi32, #tpu.memory_space<vmem>>
    %dma_start3A_54 = tpu.memref_squeeze %dma_start3A_53 : memref<1x64xi32, #tpu.memory_space<vmem>> -> memref<64xi32, #tpu.memory_space<vmem>>
    %dma_start3A_55 = tpu.memref_slice %arg2[%dma_start3A_50, %mul3A_2] : memref<4x2048xi32, #tpu.memory_space<hbm>> -> memref<1x64xi32, #tpu.memory_space<hbm>>
    %dma_start3A_56 = tpu.memref_squeeze %dma_start3A_55 : memref<1x64xi32, #tpu.memory_space<hbm>> -> memref<64xi32, #tpu.memory_space<hbm>>
    %dma_start3A_57 = arith.constant 0 : i32
    %dma_start3A_58 = tpu.memref_slice %arg8[%dma_start3A_51, %dma_start3A_57] : memref<4x64xi32, #tpu.memory_space<vmem>> -> memref<1x64xi32, #tpu.memory_space<vmem>>
    %dma_start3A_59 = tpu.memref_squeeze %dma_start3A_58 : memref<1x64xi32, #tpu.memory_space<vmem>> -> memref<64xi32, #tpu.memory_space<vmem>>
    %dma_start3A_60 = tpu.memref_slice %arg2[%dma_start3A_50, %mul3A_2] : memref<4x2048xi32, #tpu.memory_space<hbm>> -> memref<1x64xi32, #tpu.memory_space<hbm>>
    %dma_start3A_61 = tpu.memref_squeeze %dma_start3A_60 : memref<1x64xi32, #tpu.memory_space<hbm>> -> memref<64xi32, #tpu.memory_space<hbm>>
    tpu.enqueue_dma source(%dma_start3A_61 : memref<64xi32, #tpu.memory_space<hbm>>) target(%dma_start3A_59 : memref<64xi32, #tpu.memory_space<vmem>>) target_semaphore(%arg13 : memref<!tpu.dma_semaphore, #tpu.memory_space<semaphore_mem>>)
    %dma_start3A_62 = arith.constant 2 : i32
    %dma_start3A_63 = arith.constant 2 : i32
    %dma_start3A_64 = arith.constant 0 : i32
    %dma_start3A_65 = tpu.memref_slice %arg9[%dma_start3A_63, %dma_start3A_64] : memref<4x80xi32, #tpu.memory_space<vmem>> -> memref<1x64xi32, #tpu.memory_space<vmem>>
    %dma_start3A_66 = tpu.memref_squeeze %dma_start3A_65 : memref<1x64xi32, #tpu.memory_space<vmem>> -> memref<64xi32, #tpu.memory_space<vmem>>
    %dma_start3A_67 = tpu.memref_slice %arg3[%dma_start3A_62, %mul3A_2] : memref<4x2048xi32, #tpu.memory_space<hbm>> -> memref<1x64xi32, #tpu.memory_space<hbm>>
    %dma_start3A_68 = tpu.memref_squeeze %dma_start3A_67 : memref<1x64xi32, #tpu.memory_space<hbm>> -> memref<64xi32, #tpu.memory_space<hbm>>
    %dma_start3A_69 = arith.constant 0 : i32
    %dma_start3A_70 = tpu.memref_slice %arg9[%dma_start3A_63, %dma_start3A_69] : memref<4x80xi32, #tpu.memory_space<vmem>> -> memref<1x64xi32, #tpu.memory_space<vmem>>
    %dma_start3A_71 = tpu.memref_squeeze %dma_start3A_70 : memref<1x64xi32, #tpu.memory_space<vmem>> -> memref<64xi32, #tpu.memory_space<vmem>>
    %dma_start3A_72 = tpu.memref_slice %arg3[%dma_start3A_62, %mul3A_2] : memref<4x2048xi32, #tpu.memory_space<hbm>> -> memref<1x64xi32, #tpu.memory_space<hbm>>
    %dma_start3A_73 = tpu.memref_squeeze %dma_start3A_72 : memref<1x64xi32, #tpu.memory_space<hbm>> -> memref<64xi32, #tpu.memory_space<hbm>>
    tpu.enqueue_dma source(%dma_start3A_73 : memref<64xi32, #tpu.memory_space<hbm>>) target(%dma_start3A_71 : memref<64xi32, #tpu.memory_space<vmem>>) target_semaphore(%arg13 : memref<!tpu.dma_semaphore, #tpu.memory_space<semaphore_mem>>)
    %dma_start3A_74 = arith.constant 3 : i32
    %dma_start3A_75 = arith.constant 3 : i32
    %dma_start3A_76 = arith.constant 0 : i32
    %dma_start3A_77 = tpu.memref_slice %arg8[%dma_start3A_75, %dma_start3A_76] : memref<4x64xi32, #tpu.memory_space<vmem>> -> memref<1x64xi32, #tpu.memory_space<vmem>>
    %dma_start3A_78 = tpu.memref_squeeze %dma_start3A_77 : memref<1x64xi32, #tpu.memory_space<vmem>> -> memref<64xi32, #tpu.memory_space<vmem>>
    %dma_start3A_79 = tpu.memref_slice %arg2[%dma_start3A_74, %mul3A_2] : memref<4x2048xi32, #tpu.memory_space<hbm>> -> memref<1x64xi32, #tpu.memory_space<hbm>>
    %dma_start3A_80 = tpu.memref_squeeze %dma_start3A_79 : memref<1x64xi32, #tpu.memory_space<hbm>> -> memref<64xi32, #tpu.memory_space<hbm>>
    %dma_start3A_81 = arith.constant 0 : i32
    %dma_start3A_82 = tpu.memref_slice %arg8[%dma_start3A_75, %dma_start3A_81] : memref<4x64xi32, #tpu.memory_space<vmem>> -> memref<1x64xi32, #tpu.memory_space<vmem>>
    %dma_start3A_83 = tpu.memref_squeeze %dma_start3A_82 : memref<1x64xi32, #tpu.memory_space<vmem>> -> memref<64xi32, #tpu.memory_space<vmem>>
    %dma_start3A_84 = tpu.memref_slice %arg2[%dma_start3A_74, %mul3A_2] : memref<4x2048xi32, #tpu.memory_space<hbm>> -> memref<1x64xi32, #tpu.memory_space<hbm>>
    %dma_start3A_85 = tpu.memref_squeeze %dma_start3A_84 : memref<1x64xi32, #tpu.memory_space<hbm>> -> memref<64xi32, #tpu.memory_space<hbm>>
    tpu.enqueue_dma source(%dma_start3A_85 : memref<64xi32, #tpu.memory_space<hbm>>) target(%dma_start3A_83 : memref<64xi32, #tpu.memory_space<vmem>>) target_semaphore(%arg13 : memref<!tpu.dma_semaphore, #tpu.memory_space<semaphore_mem>>)
    %dma_start3A_86 = arith.constant 3 : i32
    %dma_start3A_87 = arith.constant 3 : i32
    %dma_start3A_88 = arith.constant 0 : i32
    %dma_start3A_89 = tpu.memref_slice %arg9[%dma_start3A_87, %dma_start3A_88] : memref<4x80xi32, #tpu.memory_space<vmem>> -> memref<1x64xi32, #tpu.memory_space<vmem>>
    %dma_start3A_90 = tpu.memref_squeeze %dma_start3A_89 : memref<1x64xi32, #tpu.memory_space<vmem>> -> memref<64xi32, #tpu.memory_space<vmem>>
    %dma_start3A_91 = tpu.memref_slice %arg3[%dma_start3A_86, %mul3A_2] : memref<4x2048xi32, #tpu.memory_space<hbm>> -> memref<1x64xi32, #tpu.memory_space<hbm>>
    %dma_start3A_92 = tpu.memref_squeeze %dma_start3A_91 : memref<1x64xi32, #tpu.memory_space<hbm>> -> memref<64xi32, #tpu.memory_space<hbm>>
    %dma_start3A_93 = arith.constant 0 : i32
    %dma_start3A_94 = tpu.memref_slice %arg9[%dma_start3A_87, %dma_start3A_93] : memref<4x80xi32, #tpu.memory_space<vmem>> -> memref<1x64xi32, #tpu.memory_space<vmem>>
    %dma_start3A_95 = tpu.memref_squeeze %dma_start3A_94 : memref<1x64xi32, #tpu.memory_space<vmem>> -> memref<64xi32, #tpu.memory_space<vmem>>
    %dma_start3A_96 = tpu.memref_slice %arg3[%dma_start3A_86, %mul3A_2] : memref<4x2048xi32, #tpu.memory_space<hbm>> -> memref<1x64xi32, #tpu.memory_space<hbm>>
    %dma_start3A_97 = tpu.memref_squeeze %dma_start3A_96 : memref<1x64xi32, #tpu.memory_space<hbm>> -> memref<64xi32, #tpu.memory_space<hbm>>
    tpu.enqueue_dma source(%dma_start3A_97 : memref<64xi32, #tpu.memory_space<hbm>>) target(%dma_start3A_95 : memref<64xi32, #tpu.memory_space<vmem>>) target_semaphore(%arg13 : memref<!tpu.dma_semaphore, #tpu.memory_space<semaphore_mem>>)
    tpu.enqueue_dma source(%arg5 : memref<2x1024xf32, #tpu.memory_space<hbm>>) target(%arg10 : memref<2x1024xf32, #tpu.memory_space<vmem>>) target_semaphore(%arg13 : memref<!tpu.dma_semaphore, #tpu.memory_space<semaphore_mem>>)
    %dma_wait3A = arith.constant 0 : i32
    %dma_wait3A_98 = arith.constant 0 : i32
    %dma_wait3A_99 = arith.constant 0 : i32
    %dma_wait3A_100 = tpu.memref_slice %arg8[%dma_wait3A_98, %dma_wait3A_99] : memref<4x64xi32, #tpu.memory_space<vmem>> -> memref<1x64xi32, #tpu.memory_space<vmem>>
    %dma_wait3A_101 = tpu.memref_squeeze %dma_wait3A_100 : memref<1x64xi32, #tpu.memory_space<vmem>> -> memref<64xi32, #tpu.memory_space<vmem>>
    %dma_wait3A_102 = tpu.memref_slice %arg2[%dma_wait3A, %mul3A_2] : memref<4x2048xi32, #tpu.memory_space<hbm>> -> memref<1x64xi32, #tpu.memory_space<hbm>>
    %dma_wait3A_103 = tpu.memref_squeeze %dma_wait3A_102 : memref<1x64xi32, #tpu.memory_space<hbm>> -> memref<64xi32, #tpu.memory_space<hbm>>
    %dma_wait3A_104 = arith.constant 0 : i32
    %dma_wait3A_105 = tpu.memref_slice %arg8[%dma_wait3A_98, %dma_wait3A_104] : memref<4x64xi32, #tpu.memory_space<vmem>> -> memref<1x64xi32, #tpu.memory_space<vmem>>
    %dma_wait3A_106 = tpu.memref_squeeze %dma_wait3A_105 : memref<1x64xi32, #tpu.memory_space<vmem>> -> memref<64xi32, #tpu.memory_space<vmem>>
    %dma_wait3A_107 = tpu.memref_slice %arg2[%dma_wait3A, %mul3A_2] : memref<4x2048xi32, #tpu.memory_space<hbm>> -> memref<1x64xi32, #tpu.memory_space<hbm>>
    %dma_wait3A_108 = tpu.memref_squeeze %dma_wait3A_107 : memref<1x64xi32, #tpu.memory_space<hbm>> -> memref<64xi32, #tpu.memory_space<hbm>>
    tpu.wait_dma2 semaphore(%arg13 : memref<!tpu.dma_semaphore, #tpu.memory_space<semaphore_mem>>) src(%dma_wait3A_108 : memref<64xi32, #tpu.memory_space<hbm>>) dst(%dma_wait3A_106 : memref<64xi32, #tpu.memory_space<vmem>>)
    %dma_wait3A_109 = arith.constant 0 : i32
    %dma_wait3A_110 = arith.constant 0 : i32
    %dma_wait3A_111 = arith.constant 0 : i32
    %dma_wait3A_112 = tpu.memref_slice %arg9[%dma_wait3A_110, %dma_wait3A_111] : memref<4x80xi32, #tpu.memory_space<vmem>> -> memref<1x64xi32, #tpu.memory_space<vmem>>
    %dma_wait3A_113 = tpu.memref_squeeze %dma_wait3A_112 : memref<1x64xi32, #tpu.memory_space<vmem>> -> memref<64xi32, #tpu.memory_space<vmem>>
    %dma_wait3A_114 = tpu.memref_slice %arg3[%dma_wait3A_109, %mul3A_2] : memref<4x2048xi32, #tpu.memory_space<hbm>> -> memref<1x64xi32, #tpu.memory_space<hbm>>
    %dma_wait3A_115 = tpu.memref_squeeze %dma_wait3A_114 : memref<1x64xi32, #tpu.memory_space<hbm>> -> memref<64xi32, #tpu.memory_space<hbm>>
    %dma_wait3A_116 = arith.constant 0 : i32
    %dma_wait3A_117 = tpu.memref_slice %arg9[%dma_wait3A_110, %dma_wait3A_116] : memref<4x80xi32, #tpu.memory_space<vmem>> -> memref<1x64xi32, #tpu.memory_space<vmem>>
    %dma_wait3A_118 = tpu.memref_squeeze %dma_wait3A_117 : memref<1x64xi32, #tpu.memory_space<vmem>> -> memref<64xi32, #tpu.memory_space<vmem>>
    %dma_wait3A_119 = tpu.memref_slice %arg3[%dma_wait3A_109, %mul3A_2] : memref<4x2048xi32, #tpu.memory_space<hbm>> -> memref<1x64xi32, #tpu.memory_space<hbm>>
    %dma_wait3A_120 = tpu.memref_squeeze %dma_wait3A_119 : memref<1x64xi32, #tpu.memory_space<hbm>> -> memref<64xi32, #tpu.memory_space<hbm>>
    tpu.wait_dma2 semaphore(%arg13 : memref<!tpu.dma_semaphore, #tpu.memory_space<semaphore_mem>>) src(%dma_wait3A_120 : memref<64xi32, #tpu.memory_space<hbm>>) dst(%dma_wait3A_118 : memref<64xi32, #tpu.memory_space<vmem>>)
    %dma_wait3A_121 = arith.constant 1 : i32
    %dma_wait3A_122 = arith.constant 1 : i32
    %dma_wait3A_123 = arith.constant 0 : i32
    %dma_wait3A_124 = tpu.memref_slice %arg8[%dma_wait3A_122, %dma_wait3A_123] : memref<4x64xi32, #tpu.memory_space<vmem>> -> memref<1x64xi32, #tpu.memory_space<vmem>>
    %dma_wait3A_125 = tpu.memref_squeeze %dma_wait3A_124 : memref<1x64xi32, #tpu.memory_space<vmem>> -> memref<64xi32, #tpu.memory_space<vmem>>
    %dma_wait3A_126 = tpu.memref_slice %arg2[%dma_wait3A_121, %mul3A_2] : memref<4x2048xi32, #tpu.memory_space<hbm>> -> memref<1x64xi32, #tpu.memory_space<hbm>>
    %dma_wait3A_127 = tpu.memref_squeeze %dma_wait3A_126 : memref<1x64xi32, #tpu.memory_space<hbm>> -> memref<64xi32, #tpu.memory_space<hbm>>
    %dma_wait3A_128 = arith.constant 0 : i32
    %dma_wait3A_129 = tpu.memref_slice %arg8[%dma_wait3A_122, %dma_wait3A_128] : memref<4x64xi32, #tpu.memory_space<vmem>> -> memref<1x64xi32, #tpu.memory_space<vmem>>
    %dma_wait3A_130 = tpu.memref_squeeze %dma_wait3A_129 : memref<1x64xi32, #tpu.memory_space<vmem>> -> memref<64xi32, #tpu.memory_space<vmem>>
    %dma_wait3A_131 = tpu.memref_slice %arg2[%dma_wait3A_121, %mul3A_2] : memref<4x2048xi32, #tpu.memory_space<hbm>> -> memref<1x64xi32, #tpu.memory_space<hbm>>
    %dma_wait3A_132 = tpu.memref_squeeze %dma_wait3A_131 : memref<1x64xi32, #tpu.memory_space<hbm>> -> memref<64xi32, #tpu.memory_space<hbm>>
    tpu.wait_dma2 semaphore(%arg13 : memref<!tpu.dma_semaphore, #tpu.memory_space<semaphore_mem>>) src(%dma_wait3A_132 : memref<64xi32, #tpu.memory_space<hbm>>) dst(%dma_wait3A_130 : memref<64xi32, #tpu.memory_space<vmem>>)
    %dma_wait3A_133 = arith.constant 1 : i32
    %dma_wait3A_134 = arith.constant 1 : i32
    %dma_wait3A_135 = arith.constant 0 : i32
    %dma_wait3A_136 = tpu.memref_slice %arg9[%dma_wait3A_134, %dma_wait3A_135] : memref<4x80xi32, #tpu.memory_space<vmem>> -> memref<1x64xi32, #tpu.memory_space<vmem>>
    %dma_wait3A_137 = tpu.memref_squeeze %dma_wait3A_136 : memref<1x64xi32, #tpu.memory_space<vmem>> -> memref<64xi32, #tpu.memory_space<vmem>>
    %dma_wait3A_138 = tpu.memref_slice %arg3[%dma_wait3A_133, %mul3A_2] : memref<4x2048xi32, #tpu.memory_space<hbm>> -> memref<1x64xi32, #tpu.memory_space<hbm>>
    %dma_wait3A_139 = tpu.memref_squeeze %dma_wait3A_138 : memref<1x64xi32, #tpu.memory_space<hbm>> -> memref<64xi32, #tpu.memory_space<hbm>>
    %dma_wait3A_140 = arith.constant 0 : i32
    %dma_wait3A_141 = tpu.memref_slice %arg9[%dma_wait3A_134, %dma_wait3A_140] : memref<4x80xi32, #tpu.memory_space<vmem>> -> memref<1x64xi32, #tpu.memory_space<vmem>>
    %dma_wait3A_142 = tpu.memref_squeeze %dma_wait3A_141 : memref<1x64xi32, #tpu.memory_space<vmem>> -> memref<64xi32, #tpu.memory_space<vmem>>
    %dma_wait3A_143 = tpu.memref_slice %arg3[%dma_wait3A_133, %mul3A_2] : memref<4x2048xi32, #tpu.memory_space<hbm>> -> memref<1x64xi32, #tpu.memory_space<hbm>>
    %dma_wait3A_144 = tpu.memref_squeeze %dma_wait3A_143 : memref<1x64xi32, #tpu.memory_space<hbm>> -> memref<64xi32, #tpu.memory_space<hbm>>
    tpu.wait_dma2 semaphore(%arg13 : memref<!tpu.dma_semaphore, #tpu.memory_space<semaphore_mem>>) src(%dma_wait3A_144 : memref<64xi32, #tpu.memory_space<hbm>>) dst(%dma_wait3A_142 : memref<64xi32, #tpu.memory_space<vmem>>)
    %dma_wait3A_145 = arith.constant 2 : i32
    %dma_wait3A_146 = arith.constant 2 : i32
    %dma_wait3A_147 = arith.constant 0 : i32
    %dma_wait3A_148 = tpu.memref_slice %arg8[%dma_wait3A_146, %dma_wait3A_147] : memref<4x64xi32, #tpu.memory_space<vmem>> -> memref<1x64xi32, #tpu.memory_space<vmem>>
    %dma_wait3A_149 = tpu.memref_squeeze %dma_wait3A_148 : memref<1x64xi32, #tpu.memory_space<vmem>> -> memref<64xi32, #tpu.memory_space<vmem>>
    %dma_wait3A_150 = tpu.memref_slice %arg2[%dma_wait3A_145, %mul3A_2] : memref<4x2048xi32, #tpu.memory_space<hbm>> -> memref<1x64xi32, #tpu.memory_space<hbm>>
    %dma_wait3A_151 = tpu.memref_squeeze %dma_wait3A_150 : memref<1x64xi32, #tpu.memory_space<hbm>> -> memref<64xi32, #tpu.memory_space<hbm>>
    %dma_wait3A_152 = arith.constant 0 : i32
    %dma_wait3A_153 = tpu.memref_slice %arg8[%dma_wait3A_146, %dma_wait3A_152] : memref<4x64xi32, #tpu.memory_space<vmem>> -> memref<1x64xi32, #tpu.memory_space<vmem>>
    %dma_wait3A_154 = tpu.memref_squeeze %dma_wait3A_153 : memref<1x64xi32, #tpu.memory_space<vmem>> -> memref<64xi32, #tpu.memory_space<vmem>>
    %dma_wait3A_155 = tpu.memref_slice %arg2[%dma_wait3A_145, %mul3A_2] : memref<4x2048xi32, #tpu.memory_space<hbm>> -> memref<1x64xi32, #tpu.memory_space<hbm>>
    %dma_wait3A_156 = tpu.memref_squeeze %dma_wait3A_155 : memref<1x64xi32, #tpu.memory_space<hbm>> -> memref<64xi32, #tpu.memory_space<hbm>>
    tpu.wait_dma2 semaphore(%arg13 : memref<!tpu.dma_semaphore, #tpu.memory_space<semaphore_mem>>) src(%dma_wait3A_156 : memref<64xi32, #tpu.memory_space<hbm>>) dst(%dma_wait3A_154 : memref<64xi32, #tpu.memory_space<vmem>>)
    %dma_wait3A_157 = arith.constant 2 : i32
    %dma_wait3A_158 = arith.constant 2 : i32
    %dma_wait3A_159 = arith.constant 0 : i32
    %dma_wait3A_160 = tpu.memref_slice %arg9[%dma_wait3A_158, %dma_wait3A_159] : memref<4x80xi32, #tpu.memory_space<vmem>> -> memref<1x64xi32, #tpu.memory_space<vmem>>
    %dma_wait3A_161 = tpu.memref_squeeze %dma_wait3A_160 : memref<1x64xi32, #tpu.memory_space<vmem>> -> memref<64xi32, #tpu.memory_space<vmem>>
    %dma_wait3A_162 = tpu.memref_slice %arg3[%dma_wait3A_157, %mul3A_2] : memref<4x2048xi32, #tpu.memory_space<hbm>> -> memref<1x64xi32, #tpu.memory_space<hbm>>
    %dma_wait3A_163 = tpu.memref_squeeze %dma_wait3A_162 : memref<1x64xi32, #tpu.memory_space<hbm>> -> memref<64xi32, #tpu.memory_space<hbm>>
    %dma_wait3A_164 = arith.constant 0 : i32
    %dma_wait3A_165 = tpu.memref_slice %arg9[%dma_wait3A_158, %dma_wait3A_164] : memref<4x80xi32, #tpu.memory_space<vmem>> -> memref<1x64xi32, #tpu.memory_space<vmem>>
    %dma_wait3A_166 = tpu.memref_squeeze %dma_wait3A_165 : memref<1x64xi32, #tpu.memory_space<vmem>> -> memref<64xi32, #tpu.memory_space<vmem>>
    %dma_wait3A_167 = tpu.memref_slice %arg3[%dma_wait3A_157, %mul3A_2] : memref<4x2048xi32, #tpu.memory_space<hbm>> -> memref<1x64xi32, #tpu.memory_space<hbm>>
    %dma_wait3A_168 = tpu.memref_squeeze %dma_wait3A_167 : memref<1x64xi32, #tpu.memory_space<hbm>> -> memref<64xi32, #tpu.memory_space<hbm>>
    tpu.wait_dma2 semaphore(%arg13 : memref<!tpu.dma_semaphore, #tpu.memory_space<semaphore_mem>>) src(%dma_wait3A_168 : memref<64xi32, #tpu.memory_space<hbm>>) dst(%dma_wait3A_166 : memref<64xi32, #tpu.memory_space<vmem>>)
    %dma_wait3A_169 = arith.constant 3 : i32
    %dma_wait3A_170 = arith.constant 3 : i32
    %dma_wait3A_171 = arith.constant 0 : i32
    %dma_wait3A_172 = tpu.memref_slice %arg8[%dma_wait3A_170, %dma_wait3A_171] : memref<4x64xi32, #tpu.memory_space<vmem>> -> memref<1x64xi32, #tpu.memory_space<vmem>>
    %dma_wait3A_173 = tpu.memref_squeeze %dma_wait3A_172 : memref<1x64xi32, #tpu.memory_space<vmem>> -> memref<64xi32, #tpu.memory_space<vmem>>
    %dma_wait3A_174 = tpu.memref_slice %arg2[%dma_wait3A_169, %mul3A_2] : memref<4x2048xi32, #tpu.memory_space<hbm>> -> memref<1x64xi32, #tpu.memory_space<hbm>>
    %dma_wait3A_175 = tpu.memref_squeeze %dma_wait3A_174 : memref<1x64xi32, #tpu.memory_space<hbm>> -> memref<64xi32, #tpu.memory_space<hbm>>
    %dma_wait3A_176 = arith.constant 0 : i32
    %dma_wait3A_177 = tpu.memref_slice %arg8[%dma_wait3A_170, %dma_wait3A_176] : memref<4x64xi32, #tpu.memory_space<vmem>> -> memref<1x64xi32, #tpu.memory_space<vmem>>
    %dma_wait3A_178 = tpu.memref_squeeze %dma_wait3A_177 : memref<1x64xi32, #tpu.memory_space<vmem>> -> memref<64xi32, #tpu.memory_space<vmem>>
    %dma_wait3A_179 = tpu.memref_slice %arg2[%dma_wait3A_169, %mul3A_2] : memref<4x2048xi32, #tpu.memory_space<hbm>> -> memref<1x64xi32, #tpu.memory_space<hbm>>
    %dma_wait3A_180 = tpu.memref_squeeze %dma_wait3A_179 : memref<1x64xi32, #tpu.memory_space<hbm>> -> memref<64xi32, #tpu.memory_space<hbm>>
    tpu.wait_dma2 semaphore(%arg13 : memref<!tpu.dma_semaphore, #tpu.memory_space<semaphore_mem>>) src(%dma_wait3A_180 : memref<64xi32, #tpu.memory_space<hbm>>) dst(%dma_wait3A_178 : memref<64xi32, #tpu.memory_space<vmem>>)
    %dma_wait3A_181 = arith.constant 3 : i32
    %dma_wait3A_182 = arith.constant 3 : i32
    %dma_wait3A_183 = arith.constant 0 : i32
    %dma_wait3A_184 = tpu.memref_slice %arg9[%dma_wait3A_182, %dma_wait3A_183] : memref<4x80xi32, #tpu.memory_space<vmem>> -> memref<1x64xi32, #tpu.memory_space<vmem>>
    %dma_wait3A_185 = tpu.memref_squeeze %dma_wait3A_184 : memref<1x64xi32, #tpu.memory_space<vmem>> -> memref<64xi32, #tpu.memory_space<vmem>>
    %dma_wait3A_186 = tpu.memref_slice %arg3[%dma_wait3A_181, %mul3A_2] : memref<4x2048xi32, #tpu.memory_space<hbm>> -> memref<1x64xi32, #tpu.memory_space<hbm>>
    %dma_wait3A_187 = tpu.memref_squeeze %dma_wait3A_186 : memref<1x64xi32, #tpu.memory_space<hbm>> -> memref<64xi32, #tpu.memory_space<hbm>>
    %dma_wait3A_188 = arith.constant 0 : i32
    %dma_wait3A_189 = tpu.memref_slice %arg9[%dma_wait3A_182, %dma_wait3A_188] : memref<4x80xi32, #tpu.memory_space<vmem>> -> memref<1x64xi32, #tpu.memory_space<vmem>>
    %dma_wait3A_190 = tpu.memref_squeeze %dma_wait3A_189 : memref<1x64xi32, #tpu.memory_space<vmem>> -> memref<64xi32, #tpu.memory_space<vmem>>
    %dma_wait3A_191 = tpu.memref_slice %arg3[%dma_wait3A_181, %mul3A_2] : memref<4x2048xi32, #tpu.memory_space<hbm>> -> memref<1x64xi32, #tpu.memory_space<hbm>>
    %dma_wait3A_192 = tpu.memref_squeeze %dma_wait3A_191 : memref<1x64xi32, #tpu.memory_space<hbm>> -> memref<64xi32, #tpu.memory_space<hbm>>
    tpu.wait_dma2 semaphore(%arg13 : memref<!tpu.dma_semaphore, #tpu.memory_space<semaphore_mem>>) src(%dma_wait3A_192 : memref<64xi32, #tpu.memory_space<hbm>>) dst(%dma_wait3A_190 : memref<64xi32, #tpu.memory_space<vmem>>)
    tpu.wait_dma2 semaphore(%arg13 : memref<!tpu.dma_semaphore, #tpu.memory_space<semaphore_mem>>) src(%arg5 : memref<2x1024xf32, #tpu.memory_space<hbm>>) dst(%arg10 : memref<2x1024xf32, #tpu.memory_space<vmem>>)
    %dma_start3A_193 = arith.constant 0 : i32
    %dma_start3A_194 = arith.constant 0 : i32
    %dma_start3A_195 = arith.constant 0 : i32
    %dma_start3A_196 = arith.constant 0 : i32
    %dma_start3A_197 = tpu.memref_slice %arg12[%dma_start3A_194, %dma_start3A_195, %dma_start3A_196] : memref<2x32x1024xf32, #tpu.memory_space<vmem>> -> memref<1x8x1024xf32, #tpu.memory_space<vmem>>
    %dma_start3A_198 = tpu.memref_squeeze %dma_start3A_197 : memref<1x8x1024xf32, #tpu.memory_space<vmem>> -> memref<8x1024xf32, #tpu.memory_space<vmem>>
    %dma_start3A_199 = arith.constant 0 : i32
    %dma_start3A_200 = tpu.memref_slice %arg8[%dma_start3A_193, %dma_start3A_199] : memref<4x64xi32, #tpu.memory_space<vmem>> -> memref<1x8xi32, #tpu.memory_space<vmem>>
    %dma_start3A_201 = tpu.memref_squeeze %dma_start3A_200 : memref<1x8xi32, #tpu.memory_space<vmem>> -> memref<8xi32, #tpu.memory_space<vmem>>
    %dma_start3A_202 = arith.constant 0 : i32
    %dma_start3A_203 = arith.constant 0 : i32
    %dma_start3A_204 = tpu.memref_slice %arg4[%dma_start3A_202, %dma_start3A_203] : memref<30522x1024xf32, #tpu.memory_space<hbm>> -> memref<30522x1024xf32, #tpu.memory_space<hbm>>
    tpu.enqueue_indirect_dma source(%dma_start3A_204 : memref<30522x1024xf32, #tpu.memory_space<hbm>>) target(%dma_start3A_198 : memref<8x1024xf32, #tpu.memory_space<vmem>>) offsets(%dma_start3A_201 : memref<8xi32, #tpu.memory_space<vmem>>) semaphore(%arg14 : memref<!tpu.dma_semaphore, #tpu.memory_space<semaphore_mem>>)
    %dma_start3A_205 = arith.constant 1 : i32
    %dma_start3A_206 = arith.constant 0 : i32
    %dma_start3A_207 = arith.constant 8 : i32
    %dma_start3A_208 = arith.constant 0 : i32
    %dma_start3A_209 = tpu.memref_slice %arg12[%dma_start3A_206, %dma_start3A_207, %dma_start3A_208] : memref<2x32x1024xf32, #tpu.memory_space<vmem>> -> memref<1x8x1024xf32, #tpu.memory_space<vmem>>
    %dma_start3A_210 = tpu.memref_squeeze %dma_start3A_209 : memref<1x8x1024xf32, #tpu.memory_space<vmem>> -> memref<8x1024xf32, #tpu.memory_space<vmem>>
    %dma_start3A_211 = arith.constant 0 : i32
    %dma_start3A_212 = tpu.memref_slice %arg8[%dma_start3A_205, %dma_start3A_211] : memref<4x64xi32, #tpu.memory_space<vmem>> -> memref<1x8xi32, #tpu.memory_space<vmem>>
    %dma_start3A_213 = tpu.memref_squeeze %dma_start3A_212 : memref<1x8xi32, #tpu.memory_space<vmem>> -> memref<8xi32, #tpu.memory_space<vmem>>
    %dma_start3A_214 = arith.constant 0 : i32
    %dma_start3A_215 = arith.constant 0 : i32
    %dma_start3A_216 = tpu.memref_slice %arg4[%dma_start3A_214, %dma_start3A_215] : memref<30522x1024xf32, #tpu.memory_space<hbm>> -> memref<30522x1024xf32, #tpu.memory_space<hbm>>
    tpu.enqueue_indirect_dma source(%dma_start3A_216 : memref<30522x1024xf32, #tpu.memory_space<hbm>>) target(%dma_start3A_210 : memref<8x1024xf32, #tpu.memory_space<vmem>>) offsets(%dma_start3A_213 : memref<8xi32, #tpu.memory_space<vmem>>) semaphore(%arg14 : memref<!tpu.dma_semaphore, #tpu.memory_space<semaphore_mem>>)
    %dma_start3A_217 = arith.constant 2 : i32
    %dma_start3A_218 = arith.constant 0 : i32
    %dma_start3A_219 = arith.constant 16 : i32
    %dma_start3A_220 = arith.constant 0 : i32
    %dma_start3A_221 = tpu.memref_slice %arg12[%dma_start3A_218, %dma_start3A_219, %dma_start3A_220] : memref<2x32x1024xf32, #tpu.memory_space<vmem>> -> memref<1x8x1024xf32, #tpu.memory_space<vmem>>
    %dma_start3A_222 = tpu.memref_squeeze %dma_start3A_221 : memref<1x8x1024xf32, #tpu.memory_space<vmem>> -> memref<8x1024xf32, #tpu.memory_space<vmem>>
    %dma_start3A_223 = arith.constant 0 : i32
    %dma_start3A_224 = tpu.memref_slice %arg8[%dma_start3A_217, %dma_start3A_223] : memref<4x64xi32, #tpu.memory_space<vmem>> -> memref<1x8xi32, #tpu.memory_space<vmem>>
    %dma_start3A_225 = tpu.memref_squeeze %dma_start3A_224 : memref<1x8xi32, #tpu.memory_space<vmem>> -> memref<8xi32, #tpu.memory_space<vmem>>
    %dma_start3A_226 = arith.constant 0 : i32
    %dma_start3A_227 = arith.constant 0 : i32
    %dma_start3A_228 = tpu.memref_slice %arg4[%dma_start3A_226, %dma_start3A_227] : memref<30522x1024xf32, #tpu.memory_space<hbm>> -> memref<30522x1024xf32, #tpu.memory_space<hbm>>
    tpu.enqueue_indirect_dma source(%dma_start3A_228 : memref<30522x1024xf32, #tpu.memory_space<hbm>>) target(%dma_start3A_222 : memref<8x1024xf32, #tpu.memory_space<vmem>>) offsets(%dma_start3A_225 : memref<8xi32, #tpu.memory_space<vmem>>) semaphore(%arg14 : memref<!tpu.dma_semaphore, #tpu.memory_space<semaphore_mem>>)
    %dma_start3A_229 = arith.constant 3 : i32
    %dma_start3A_230 = arith.constant 0 : i32
    %dma_start3A_231 = arith.constant 24 : i32
    %dma_start3A_232 = arith.constant 0 : i32
    %dma_start3A_233 = tpu.memref_slice %arg12[%dma_start3A_230, %dma_start3A_231, %dma_start3A_232] : memref<2x32x1024xf32, #tpu.memory_space<vmem>> -> memref<1x8x1024xf32, #tpu.memory_space<vmem>>
    %dma_start3A_234 = tpu.memref_squeeze %dma_start3A_233 : memref<1x8x1024xf32, #tpu.memory_space<vmem>> -> memref<8x1024xf32, #tpu.memory_space<vmem>>
    %dma_start3A_235 = arith.constant 0 : i32
    %dma_start3A_236 = tpu.memref_slice %arg8[%dma_start3A_229, %dma_start3A_235] : memref<4x64xi32, #tpu.memory_space<vmem>> -> memref<1x8xi32, #tpu.memory_space<vmem>>
    %dma_start3A_237 = tpu.memref_squeeze %dma_start3A_236 : memref<1x8xi32, #tpu.memory_space<vmem>> -> memref<8xi32, #tpu.memory_space<vmem>>
    %dma_start3A_238 = arith.constant 0 : i32
    %dma_start3A_239 = arith.constant 0 : i32
    %dma_start3A_240 = tpu.memref_slice %arg4[%dma_start3A_238, %dma_start3A_239] : memref<30522x1024xf32, #tpu.memory_space<hbm>> -> memref<30522x1024xf32, #tpu.memory_space<hbm>>
    tpu.enqueue_indirect_dma source(%dma_start3A_240 : memref<30522x1024xf32, #tpu.memory_space<hbm>>) target(%dma_start3A_234 : memref<8x1024xf32, #tpu.memory_space<vmem>>) offsets(%dma_start3A_237 : memref<8xi32, #tpu.memory_space<vmem>>) semaphore(%arg14 : memref<!tpu.dma_semaphore, #tpu.memory_space<semaphore_mem>>)
    %add3A_241 = arith.constant 0 : i32
    %add3A_242 = arith.addi %mul3A_2, %add3A_241 : i32
    %dma_start3A_243 = arith.constant 0 : i32
    %dma_start3A_244 = arith.constant 0 : i32
    %dma_start3A_245 = arith.constant 0 : i32
    %dma_start3A_246 = tpu.memref_slice %arg11[%dma_start3A_243, %dma_start3A_244, %dma_start3A_245] : memref<2x8x1024xf32, #tpu.memory_space<vmem>> -> memref<1x8x1024xf32, #tpu.memory_space<vmem>>
    %dma_start3A_247 = tpu.memref_squeeze %dma_start3A_246 : memref<1x8x1024xf32, #tpu.memory_space<vmem>> -> memref<8x1024xf32, #tpu.memory_space<vmem>>
    %dma_start3A_248 = arith.constant 0 : i32
    %dma_start3A_249 = tpu.memref_slice %arg6[%add3A_242, %dma_start3A_248] : memref<2048x1024xf32, #tpu.memory_space<hbm>> -> memref<8x1024xf32, #tpu.memory_space<hbm>>
    %dma_start3A_250 = arith.constant 0 : i32
    %dma_start3A_251 = arith.constant 0 : i32
    %dma_start3A_252 = tpu.memref_slice %arg11[%dma_start3A_243, %dma_start3A_250, %dma_start3A_251] : memref<2x8x1024xf32, #tpu.memory_space<vmem>> -> memref<1x8x1024xf32, #tpu.memory_space<vmem>>
    %dma_start3A_253 = tpu.memref_squeeze %dma_start3A_252 : memref<1x8x1024xf32, #tpu.memory_space<vmem>> -> memref<8x1024xf32, #tpu.memory_space<vmem>>
    %dma_start3A_254 = arith.constant 0 : i32
    %dma_start3A_255 = tpu.memref_slice %arg6[%add3A_242, %dma_start3A_254] : memref<2048x1024xf32, #tpu.memory_space<hbm>> -> memref<8x1024xf32, #tpu.memory_space<hbm>>
    tpu.enqueue_dma source(%dma_start3A_255 : memref<8x1024xf32, #tpu.memory_space<hbm>>) target(%dma_start3A_253 : memref<8x1024xf32, #tpu.memory_space<vmem>>) target_semaphore(%arg18 : memref<!tpu.dma_semaphore, #tpu.memory_space<semaphore_mem>>)
    %scan3A = arith.constant 0 : i32
    %scan3A_256 = arith.constant 0 : i32
    %scan3A_257 = arith.constant 4 : i32
    %scan3A_258 = arith.addi %scan3A_256, %scan3A_257 : i32
    %scan3A_259 = arith.constant 1 : i32
    scf.for %scan3A_279 = %scan3A_256 to %scan3A_258 step %scan3A_259  : i32 {
      %mul3A_280 = arith.constant 2 : i32
      %mul3A_281 = arith.muli %mul3A_280, %scan3A_279 : i32
      %mul3A_282 = arith.constant 2 : i32
      %mul3A_283 = arith.muli %mul3A_282, %scan3A_279 : i32
      %add3A_284 = arith.constant 1 : i32
      %add3A_285 = arith.addi %mul3A_283, %add3A_284 : i32
      %gt3A = arith.constant 0 : i32
      %gt3A_286 = arith.cmpi sgt, %scan3A_279, %gt3A : i32
      %convert_element_type3A = arith.extui %gt3A_286 : i1 to i32
      %cond3A = arith.constant 0 : i32
      %cond3A_287 = arith.cmpi ne, %convert_element_type3A, %cond3A : i32
      scf.if %cond3A_287 {
        %dma_wait3A_597 = arith.constant 1 : i32
        %dma_wait3A_598 = arith.constant 0 : i32
        %dma_wait3A_599 = arith.constant 0 : i32
        %dma_wait3A_600 = arith.constant 0 : i32
        %dma_wait3A_601 = tpu.memref_slice %arg12[%dma_wait3A_597, %dma_wait3A_599, %dma_wait3A_600] : memref<2x32x1024xf32, #tpu.memory_space<vmem>> -> memref<1x32x1024xf32, #tpu.memory_space<vmem>>
        %dma_wait3A_602 = tpu.memref_squeeze %dma_wait3A_601 : memref<1x32x1024xf32, #tpu.memory_space<vmem>> -> memref<32x1024xf32, #tpu.memory_space<vmem>>
        %dma_wait3A_603 = arith.constant 0 : i32
        %dma_wait3A_604 = arith.constant 0 : i32
        %dma_wait3A_605 = tpu.memref_slice %arg7[%dma_wait3A_598, %dma_wait3A_603, %dma_wait3A_604] : memref<4x2048x1024xf32, #tpu.memory_space<hbm>> -> memref<1x32x1024xf32, #tpu.memory_space<hbm>>
        %dma_wait3A_606 = tpu.memref_squeeze %dma_wait3A_605 : memref<1x32x1024xf32, #tpu.memory_space<hbm>> -> memref<32x1024xf32, #tpu.memory_space<hbm>>
        %dma_wait3A_607 = arith.constant 0 : i32
        %dma_wait3A_608 = arith.constant 0 : i32
        %dma_wait3A_609 = tpu.memref_slice %arg7[%dma_wait3A_598, %dma_wait3A_607, %dma_wait3A_608] : memref<4x2048x1024xf32, #tpu.memory_space<hbm>> -> memref<1x32x1024xf32, #tpu.memory_space<hbm>>
        %dma_wait3A_610 = tpu.memref_squeeze %dma_wait3A_609 : memref<1x32x1024xf32, #tpu.memory_space<hbm>> -> memref<32x1024xf32, #tpu.memory_space<hbm>>
        %dma_wait3A_611 = arith.constant 0 : i32
        %dma_wait3A_612 = arith.constant 0 : i32
        %dma_wait3A_613 = tpu.memref_slice %arg12[%dma_wait3A_597, %dma_wait3A_611, %dma_wait3A_612] : memref<2x32x1024xf32, #tpu.memory_space<vmem>> -> memref<1x32x1024xf32, #tpu.memory_space<vmem>>
        %dma_wait3A_614 = tpu.memref_squeeze %dma_wait3A_613 : memref<1x32x1024xf32, #tpu.memory_space<vmem>> -> memref<32x1024xf32, #tpu.memory_space<vmem>>
        tpu.wait_dma2 semaphore(%arg17 : memref<!tpu.dma_semaphore, #tpu.memory_space<semaphore_mem>>) src(%dma_wait3A_614 : memref<32x1024xf32, #tpu.memory_space<vmem>>) dst(%dma_wait3A_610 : memref<32x1024xf32, #tpu.memory_space<hbm>>)
      } else {
      }
      %mul3A_288 = arith.constant 8 : i32
      %mul3A_289 = arith.muli %add3A_285, %mul3A_288 : i32
      %dma_start3A_290 = arith.constant 0 : i32
      %dma_start3A_291 = arith.constant 1 : i32
      %dma_start3A_292 = arith.constant 0 : i32
      %dma_start3A_293 = arith.constant 0 : i32
      %dma_start3A_294 = tpu.memref_slice %arg12[%dma_start3A_291, %dma_start3A_292, %dma_start3A_293] : memref<2x32x1024xf32, #tpu.memory_space<vmem>> -> memref<1x8x1024xf32, #tpu.memory_space<vmem>>
      %dma_start3A_295 = tpu.memref_squeeze %dma_start3A_294 : memref<1x8x1024xf32, #tpu.memory_space<vmem>> -> memref<8x1024xf32, #tpu.memory_space<vmem>>
      %dma_start3A_296 = tpu.memref_slice %arg8[%dma_start3A_290, %mul3A_289] : memref<4x64xi32, #tpu.memory_space<vmem>> -> memref<1x8xi32, #tpu.memory_space<vmem>>
      %dma_start3A_297 = tpu.memref_squeeze %dma_start3A_296 : memref<1x8xi32, #tpu.memory_space<vmem>> -> memref<8xi32, #tpu.memory_space<vmem>>
      %dma_start3A_298 = arith.constant 0 : i32
      %dma_start3A_299 = arith.constant 0 : i32
      %dma_start3A_300 = tpu.memref_slice %arg4[%dma_start3A_298, %dma_start3A_299] : memref<30522x1024xf32, #tpu.memory_space<hbm>> -> memref<30522x1024xf32, #tpu.memory_space<hbm>>
      tpu.enqueue_indirect_dma source(%dma_start3A_300 : memref<30522x1024xf32, #tpu.memory_space<hbm>>) target(%dma_start3A_295 : memref<8x1024xf32, #tpu.memory_space<vmem>>) offsets(%dma_start3A_297 : memref<8xi32, #tpu.memory_space<vmem>>) semaphore(%arg15 : memref<!tpu.dma_semaphore, #tpu.memory_space<semaphore_mem>>)
      %mul3A_301 = arith.constant 8 : i32
      %mul3A_302 = arith.muli %add3A_285, %mul3A_301 : i32
      %dma_start3A_303 = arith.constant 1 : i32
      %dma_start3A_304 = arith.constant 1 : i32
      %dma_start3A_305 = arith.constant 8 : i32
      %dma_start3A_306 = arith.constant 0 : i32
      %dma_start3A_307 = tpu.memref_slice %arg12[%dma_start3A_304, %dma_start3A_305, %dma_start3A_306] : memref<2x32x1024xf32, #tpu.memory_space<vmem>> -> memref<1x8x1024xf32, #tpu.memory_space<vmem>>
      %dma_start3A_308 = tpu.memref_squeeze %dma_start3A_307 : memref<1x8x1024xf32, #tpu.memory_space<vmem>> -> memref<8x1024xf32, #tpu.memory_space<vmem>>
      %dma_start3A_309 = tpu.memref_slice %arg8[%dma_start3A_303, %mul3A_302] : memref<4x64xi32, #tpu.memory_space<vmem>> -> memref<1x8xi32, #tpu.memory_space<vmem>>
      %dma_start3A_310 = tpu.memref_squeeze %dma_start3A_309 : memref<1x8xi32, #tpu.memory_space<vmem>> -> memref<8xi32, #tpu.memory_space<vmem>>
      %dma_start3A_311 = arith.constant 0 : i32
      %dma_start3A_312 = arith.constant 0 : i32
      %dma_start3A_313 = tpu.memref_slice %arg4[%dma_start3A_311, %dma_start3A_312] : memref<30522x1024xf32, #tpu.memory_space<hbm>> -> memref<30522x1024xf32, #tpu.memory_space<hbm>>
      tpu.enqueue_indirect_dma source(%dma_start3A_313 : memref<30522x1024xf32, #tpu.memory_space<hbm>>) target(%dma_start3A_308 : memref<8x1024xf32, #tpu.memory_space<vmem>>) offsets(%dma_start3A_310 : memref<8xi32, #tpu.memory_space<vmem>>) semaphore(%arg15 : memref<!tpu.dma_semaphore, #tpu.memory_space<semaphore_mem>>)
      %mul3A_314 = arith.constant 8 : i32
      %mul3A_315 = arith.muli %add3A_285, %mul3A_314 : i32
      %dma_start3A_316 = arith.constant 2 : i32
      %dma_start3A_317 = arith.constant 1 : i32
      %dma_start3A_318 = arith.constant 16 : i32
      %dma_start3A_319 = arith.constant 0 : i32
      %dma_start3A_320 = tpu.memref_slice %arg12[%dma_start3A_317, %dma_start3A_318, %dma_start3A_319] : memref<2x32x1024xf32, #tpu.memory_space<vmem>> -> memref<1x8x1024xf32, #tpu.memory_space<vmem>>
      %dma_start3A_321 = tpu.memref_squeeze %dma_start3A_320 : memref<1x8x1024xf32, #tpu.memory_space<vmem>> -> memref<8x1024xf32, #tpu.memory_space<vmem>>
      %dma_start3A_322 = tpu.memref_slice %arg8[%dma_start3A_316, %mul3A_315] : memref<4x64xi32, #tpu.memory_space<vmem>> -> memref<1x8xi32, #tpu.memory_space<vmem>>
      %dma_start3A_323 = tpu.memref_squeeze %dma_start3A_322 : memref<1x8xi32, #tpu.memory_space<vmem>> -> memref<8xi32, #tpu.memory_space<vmem>>
      %dma_start3A_324 = arith.constant 0 : i32
      %dma_start3A_325 = arith.constant 0 : i32
      %dma_start3A_326 = tpu.memref_slice %arg4[%dma_start3A_324, %dma_start3A_325] : memref<30522x1024xf32, #tpu.memory_space<hbm>> -> memref<30522x1024xf32, #tpu.memory_space<hbm>>
      tpu.enqueue_indirect_dma source(%dma_start3A_326 : memref<30522x1024xf32, #tpu.memory_space<hbm>>) target(%dma_start3A_321 : memref<8x1024xf32, #tpu.memory_space<vmem>>) offsets(%dma_start3A_323 : memref<8xi32, #tpu.memory_space<vmem>>) semaphore(%arg15 : memref<!tpu.dma_semaphore, #tpu.memory_space<semaphore_mem>>)
      %mul3A_327 = arith.constant 8 : i32
      %mul3A_328 = arith.muli %add3A_285, %mul3A_327 : i32
      %dma_start3A_329 = arith.constant 3 : i32
      %dma_start3A_330 = arith.constant 1 : i32
      %dma_start3A_331 = arith.constant 24 : i32
      %dma_start3A_332 = arith.constant 0 : i32
      %dma_start3A_333 = tpu.memref_slice %arg12[%dma_start3A_330, %dma_start3A_331, %dma_start3A_332] : memref<2x32x1024xf32, #tpu.memory_space<vmem>> -> memref<1x8x1024xf32, #tpu.memory_space<vmem>>
      %dma_start3A_334 = tpu.memref_squeeze %dma_start3A_333 : memref<1x8x1024xf32, #tpu.memory_space<vmem>> -> memref<8x1024xf32, #tpu.memory_space<vmem>>
      %dma_start3A_335 = tpu.memref_slice %arg8[%dma_start3A_329, %mul3A_328] : memref<4x64xi32, #tpu.memory_space<vmem>> -> memref<1x8xi32, #tpu.memory_space<vmem>>
      %dma_start3A_336 = tpu.memref_squeeze %dma_start3A_335 : memref<1x8xi32, #tpu.memory_space<vmem>> -> memref<8xi32, #tpu.memory_space<vmem>>
      %dma_start3A_337 = arith.constant 0 : i32
      %dma_start3A_338 = arith.constant 0 : i32
      %dma_start3A_339 = tpu.memref_slice %arg4[%dma_start3A_337, %dma_start3A_338] : memref<30522x1024xf32, #tpu.memory_space<hbm>> -> memref<30522x1024xf32, #tpu.memory_space<hbm>>
      tpu.enqueue_indirect_dma source(%dma_start3A_339 : memref<30522x1024xf32, #tpu.memory_space<hbm>>) target(%dma_start3A_334 : memref<8x1024xf32, #tpu.memory_space<vmem>>) offsets(%dma_start3A_336 : memref<8xi32, #tpu.memory_space<vmem>>) semaphore(%arg15 : memref<!tpu.dma_semaphore, #tpu.memory_space<semaphore_mem>>)
      %mul3A_340 = arith.constant 8 : i32
      %mul3A_341 = arith.muli %add3A_285, %mul3A_340 : i32
      %add3A_342 = arith.addi %mul3A_2, %mul3A_341 : i32
      %dma_start3A_343 = arith.constant 1 : i32
      %dma_start3A_344 = arith.constant 0 : i32
      %dma_start3A_345 = arith.constant 0 : i32
      %dma_start3A_346 = tpu.memref_slice %arg11[%dma_start3A_343, %dma_start3A_344, %dma_start3A_345] : memref<2x8x1024xf32, #tpu.memory_space<vmem>> -> memref<1x8x1024xf32, #tpu.memory_space<vmem>>
      %dma_start3A_347 = tpu.memref_squeeze %dma_start3A_346 : memref<1x8x1024xf32, #tpu.memory_space<vmem>> -> memref<8x1024xf32, #tpu.memory_space<vmem>>
      %dma_start3A_348 = arith.constant 0 : i32
      %dma_start3A_349 = tpu.memref_slice %arg6[%add3A_342, %dma_start3A_348] : memref<2048x1024xf32, #tpu.memory_space<hbm>> -> memref<8x1024xf32, #tpu.memory_space<hbm>>
      %dma_start3A_350 = arith.constant 0 : i32
      %dma_start3A_351 = arith.constant 0 : i32
      %dma_start3A_352 = tpu.memref_slice %arg11[%dma_start3A_343, %dma_start3A_350, %dma_start3A_351] : memref<2x8x1024xf32, #tpu.memory_space<vmem>> -> memref<1x8x1024xf32, #tpu.memory_space<vmem>>
      %dma_start3A_353 = tpu.memref_squeeze %dma_start3A_352 : memref<1x8x1024xf32, #tpu.memory_space<vmem>> -> memref<8x1024xf32, #tpu.memory_space<vmem>>
      %dma_start3A_354 = arith.constant 0 : i32
      %dma_start3A_355 = tpu.memref_slice %arg6[%add3A_342, %dma_start3A_354] : memref<2048x1024xf32, #tpu.memory_space<hbm>> -> memref<8x1024xf32, #tpu.memory_space<hbm>>
      tpu.enqueue_dma source(%dma_start3A_355 : memref<8x1024xf32, #tpu.memory_space<hbm>>) target(%dma_start3A_353 : memref<8x1024xf32, #tpu.memory_space<vmem>>) target_semaphore(%arg19 : memref<!tpu.dma_semaphore, #tpu.memory_space<semaphore_mem>>)
      %dma_wait3A_356 = arith.constant 0 : i32
      %dma_wait3A_357 = arith.constant 0 : i32
      %dma_wait3A_358 = arith.constant 0 : i32
      %dma_wait3A_359 = tpu.memref_slice %arg12[%dma_wait3A_356, %dma_wait3A_357, %dma_wait3A_358] : memref<2x32x1024xf32, #tpu.memory_space<vmem>> -> memref<1x32x1024xf32, #tpu.memory_space<vmem>>
      %dma_wait3A_360 = tpu.memref_squeeze %dma_wait3A_359 : memref<1x32x1024xf32, #tpu.memory_space<vmem>> -> memref<32x1024xf32, #tpu.memory_space<vmem>>
      %dma_wait3A_361 = arith.constant 0 : i32
      %dma_wait3A_362 = arith.constant 0 : i32
      %dma_wait3A_363 = tpu.memref_slice %arg4[%dma_wait3A_361, %dma_wait3A_362] : memref<30522x1024xf32, #tpu.memory_space<hbm>> -> memref<32x1024xf32, #tpu.memory_space<hbm>>
      %dma_wait3A_364 = arith.constant 0 : i32
      %dma_wait3A_365 = arith.constant 0 : i32
      %dma_wait3A_366 = tpu.memref_slice %arg12[%dma_wait3A_356, %dma_wait3A_364, %dma_wait3A_365] : memref<2x32x1024xf32, #tpu.memory_space<vmem>> -> memref<1x32x1024xf32, #tpu.memory_space<vmem>>
      %dma_wait3A_367 = tpu.memref_squeeze %dma_wait3A_366 : memref<1x32x1024xf32, #tpu.memory_space<vmem>> -> memref<32x1024xf32, #tpu.memory_space<vmem>>
      %dma_wait3A_368 = arith.constant 0 : i32
      %dma_wait3A_369 = arith.constant 0 : i32
      %dma_wait3A_370 = tpu.memref_slice %arg4[%dma_wait3A_368, %dma_wait3A_369] : memref<30522x1024xf32, #tpu.memory_space<hbm>> -> memref<32x1024xf32, #tpu.memory_space<hbm>>
      tpu.wait_dma2 semaphore(%arg14 : memref<!tpu.dma_semaphore, #tpu.memory_space<semaphore_mem>>) src(%dma_wait3A_370 : memref<32x1024xf32, #tpu.memory_space<hbm>>) dst(%dma_wait3A_367 : memref<32x1024xf32, #tpu.memory_space<vmem>>)
      %dma_wait3A_371 = arith.constant 0 : i32
      %dma_wait3A_372 = arith.constant 0 : i32
      %dma_wait3A_373 = arith.constant 0 : i32
      %dma_wait3A_374 = tpu.memref_slice %arg11[%dma_wait3A_371, %dma_wait3A_372, %dma_wait3A_373] : memref<2x8x1024xf32, #tpu.memory_space<vmem>> -> memref<1x8x1024xf32, #tpu.memory_space<vmem>>
      %dma_wait3A_375 = tpu.memref_squeeze %dma_wait3A_374 : memref<1x8x1024xf32, #tpu.memory_space<vmem>> -> memref<8x1024xf32, #tpu.memory_space<vmem>>
      %dma_wait3A_376 = arith.constant 0 : i32
      %dma_wait3A_377 = arith.constant 0 : i32
      %dma_wait3A_378 = tpu.memref_slice %arg6[%dma_wait3A_376, %dma_wait3A_377] : memref<2048x1024xf32, #tpu.memory_space<hbm>> -> memref<8x1024xf32, #tpu.memory_space<hbm>>
      %dma_wait3A_379 = arith.constant 0 : i32
      %dma_wait3A_380 = arith.constant 0 : i32
      %dma_wait3A_381 = tpu.memref_slice %arg11[%dma_wait3A_371, %dma_wait3A_379, %dma_wait3A_380] : memref<2x8x1024xf32, #tpu.memory_space<vmem>> -> memref<1x8x1024xf32, #tpu.memory_space<vmem>>
      %dma_wait3A_382 = tpu.memref_squeeze %dma_wait3A_381 : memref<1x8x1024xf32, #tpu.memory_space<vmem>> -> memref<8x1024xf32, #tpu.memory_space<vmem>>
      %dma_wait3A_383 = arith.constant 0 : i32
      %dma_wait3A_384 = arith.constant 0 : i32
      %dma_wait3A_385 = tpu.memref_slice %arg6[%dma_wait3A_383, %dma_wait3A_384] : memref<2048x1024xf32, #tpu.memory_space<hbm>> -> memref<8x1024xf32, #tpu.memory_space<hbm>>
      tpu.wait_dma2 semaphore(%arg18 : memref<!tpu.dma_semaphore, #tpu.memory_space<semaphore_mem>>) src(%dma_wait3A_385 : memref<8x1024xf32, #tpu.memory_space<hbm>>) dst(%dma_wait3A_382 : memref<8x1024xf32, #tpu.memory_space<vmem>>)
      %parallel_loop3A = arith.constant 0 : i32
      %parallel_loop3A_386 = arith.constant 8 : i32
      %parallel_loop3A_387 = arith.constant 1 : i32
      scf.for %parallel_loop3A_597 = %parallel_loop3A to %parallel_loop3A_386 step %parallel_loop3A_387  : i32 {
        %parallel_loop3A_598 = arith.constant 8 : i32
        %parallel_loop3A_599 = arith.muli %mul3A_281, %parallel_loop3A_598 : i32
        %parallel_loop3A_600 = arith.addi %parallel_loop3A_599, %parallel_loop3A_597 : i32
        %parallel_loop3A_601 = arith.constant 0 : i32
        %parallel_loop3A_602 = arith.index_cast %parallel_loop3A_601 : i32 to index
        %parallel_loop3A_603 = arith.index_cast %parallel_loop3A_600 : i32 to index
        %parallel_loop3A_604 = tpu.vector_load %arg9[%parallel_loop3A_602, %parallel_loop3A_603] {strides = array<i32>} : memref<4x80xi32, #tpu.memory_space<vmem>>, vector<1x16xi32>,
        %parallel_loop3A_605 = vector.shape_cast %parallel_loop3A_604 : vector<1x16xi32> to vector<16xi32>
        %parallel_loop3A_606 = vector.extract_strided_slice %parallel_loop3A_605 {offsets = [0], sizes = [1], strides = [1]} : vector<16xi32> to vector<1xi32>
        %parallel_loop3A_607 = vector.extract %parallel_loop3A_606[0] : i32 from vector<1xi32>
        %parallel_loop3A_608 = arith.sitofp %parallel_loop3A_607 : i32 to f32
        %parallel_loop3A_609 = vector.broadcast %parallel_loop3A_608 : f32 to vector<16xf32>
        %parallel_loop3A_610 = arith.constant 8 : i32
        %parallel_loop3A_611 = arith.muli %mul3A_281, %parallel_loop3A_610 : i32
        %parallel_loop3A_612 = arith.addi %parallel_loop3A_611, %parallel_loop3A_597 : i32
        %parallel_loop3A_613 = arith.constant 1 : i32
        %parallel_loop3A_614 = arith.index_cast %parallel_loop3A_613 : i32 to index
        %parallel_loop3A_615 = arith.index_cast %parallel_loop3A_612 : i32 to index
        %parallel_loop3A_616 = tpu.vector_load %arg9[%parallel_loop3A_614, %parallel_loop3A_615] {strides = array<i32>} : memref<4x80xi32, #tpu.memory_space<vmem>>, vector<1x16xi32>,
        %parallel_loop3A_617 = vector.shape_cast %parallel_loop3A_616 : vector<1x16xi32> to vector<16xi32>
        %parallel_loop3A_618 = vector.extract_strided_slice %parallel_loop3A_617 {offsets = [0], sizes = [1], strides = [1]} : vector<16xi32> to vector<1xi32>
        %parallel_loop3A_619 = vector.extract %parallel_loop3A_618[0] : i32 from vector<1xi32>
        %parallel_loop3A_620 = arith.sitofp %parallel_loop3A_619 : i32 to f32
        %parallel_loop3A_621 = vector.broadcast %parallel_loop3A_620 : f32 to vector<16xf32>
        %parallel_loop3A_622 = arith.constant 8 : i32
        %parallel_loop3A_623 = arith.muli %mul3A_281, %parallel_loop3A_622 : i32
        %parallel_loop3A_624 = arith.addi %parallel_loop3A_623, %parallel_loop3A_597 : i32
        %parallel_loop3A_625 = arith.constant 2 : i32
        %parallel_loop3A_626 = arith.index_cast %parallel_loop3A_625 : i32 to index
        %parallel_loop3A_627 = arith.index_cast %parallel_loop3A_624 : i32 to index
        %parallel_loop3A_628 = tpu.vector_load %arg9[%parallel_loop3A_626, %parallel_loop3A_627] {strides = array<i32>} : memref<4x80xi32, #tpu.memory_space<vmem>>, vector<1x16xi32>,
        %parallel_loop3A_629 = vector.shape_cast %parallel_loop3A_628 : vector<1x16xi32> to vector<16xi32>
        %parallel_loop3A_630 = vector.extract_strided_slice %parallel_loop3A_629 {offsets = [0], sizes = [1], strides = [1]} : vector<16xi32> to vector<1xi32>
        %parallel_loop3A_631 = vector.extract %parallel_loop3A_630[0] : i32 from vector<1xi32>
        %parallel_loop3A_632 = arith.sitofp %parallel_loop3A_631 : i32 to f32
        %parallel_loop3A_633 = vector.broadcast %parallel_loop3A_632 : f32 to vector<16xf32>
        %parallel_loop3A_634 = arith.constant 8 : i32
        %parallel_loop3A_635 = arith.muli %mul3A_281, %parallel_loop3A_634 : i32
        %parallel_loop3A_636 = arith.addi %parallel_loop3A_635, %parallel_loop3A_597 : i32
        %parallel_loop3A_637 = arith.constant 3 : i32
        %parallel_loop3A_638 = arith.index_cast %parallel_loop3A_637 : i32 to index
        %parallel_loop3A_639 = arith.index_cast %parallel_loop3A_636 : i32 to index
        %parallel_loop3A_640 = tpu.vector_load %arg9[%parallel_loop3A_638, %parallel_loop3A_639] {strides = array<i32>} : memref<4x80xi32, #tpu.memory_space<vmem>>, vector<1x16xi32>,
        %parallel_loop3A_641 = vector.shape_cast %parallel_loop3A_640 : vector<1x16xi32> to vector<16xi32>
        %parallel_loop3A_642 = vector.extract_strided_slice %parallel_loop3A_641 {offsets = [0], sizes = [1], strides = [1]} : vector<16xi32> to vector<1xi32>
        %parallel_loop3A_643 = vector.extract %parallel_loop3A_642[0] : i32 from vector<1xi32>
        %parallel_loop3A_644 = arith.sitofp %parallel_loop3A_643 : i32 to f32
        %parallel_loop3A_645 = vector.broadcast %parallel_loop3A_644 : f32 to vector<16xf32>
        %parallel_loop3A_646 = arith.constant 0 : i32
        %parallel_loop3A_647 = arith.constant 64 : i32
        %parallel_loop3A_648 = arith.constant 1 : i32
        scf.for %parallel_loop3A_649 = %parallel_loop3A_646 to %parallel_loop3A_647 step %parallel_loop3A_648  : i32 {
          %parallel_loop3A_650 = arith.constant 16 : i32
          %parallel_loop3A_651 = arith.muli %parallel_loop3A_649, %parallel_loop3A_650 : i32
          %parallel_loop3A_652 = arith.constant 0 : i32
          %parallel_loop3A_653 = arith.index_cast %parallel_loop3A_652 : i32 to index
          %parallel_loop3A_654 = arith.index_cast %parallel_loop3A_651 : i32 to index
          %parallel_loop3A_655 = tpu.vector_load %arg10[%parallel_loop3A_653, %parallel_loop3A_654] {strides = array<i32>} : memref<2x1024xf32, #tpu.memory_space<vmem>>, vector<1x16xf32>,
          %parallel_loop3A_656 = vector.shape_cast %parallel_loop3A_655 : vector<1x16xf32> to vector<16xf32>
          %parallel_loop3A_657 = arith.constant 1 : i32
          %parallel_loop3A_658 = arith.index_cast %parallel_loop3A_657 : i32 to index
          %parallel_loop3A_659 = arith.index_cast %parallel_loop3A_651 : i32 to index
          %parallel_loop3A_660 = tpu.vector_load %arg10[%parallel_loop3A_658, %parallel_loop3A_659] {strides = array<i32>} : memref<2x1024xf32, #tpu.memory_space<vmem>>, vector<1x16xf32>,
          %parallel_loop3A_661 = vector.shape_cast %parallel_loop3A_660 : vector<1x16xf32> to vector<16xf32>
          %parallel_loop3A_662 = arith.constant 0 : i32
          %parallel_loop3A_663 = arith.index_cast %parallel_loop3A_662 : i32 to index
          %parallel_loop3A_664 = arith.index_cast %parallel_loop3A_597 : i32 to index
          %parallel_loop3A_665 = arith.index_cast %parallel_loop3A_651 : i32 to index
          %parallel_loop3A_666 = tpu.vector_load %arg11[%parallel_loop3A_663, %parallel_loop3A_664, %parallel_loop3A_665] {strides = array<i32>} : memref<2x8x1024xf32, #tpu.memory_space<vmem>>, vector<1x1x16xf32>,
          %parallel_loop3A_667 = vector.shape_cast %parallel_loop3A_666 : vector<1x1x16xf32> to vector<16xf32>
          %parallel_loop3A_668 = arith.addf %parallel_loop3A_667, %parallel_loop3A_656 : vector<16xf32>
          %parallel_loop3A_669 = arith.subf %parallel_loop3A_661, %parallel_loop3A_656 : vector<16xf32>
          %parallel_loop3A_670 = arith.constant 0 : i32
          %parallel_loop3A_671 = arith.addi %parallel_loop3A_670, %parallel_loop3A_597 : i32
          %parallel_loop3A_672 = arith.constant 0 : i32
          %parallel_loop3A_673 = arith.index_cast %parallel_loop3A_672 : i32 to index
          %parallel_loop3A_674 = arith.index_cast %parallel_loop3A_671 : i32 to index
          %parallel_loop3A_675 = arith.index_cast %parallel_loop3A_651 : i32 to index
          %parallel_loop3A_676 = tpu.vector_load %arg12[%parallel_loop3A_673, %parallel_loop3A_674, %parallel_loop3A_675] {strides = array<i32>} : memref<2x32x1024xf32, #tpu.memory_space<vmem>>, vector<1x1x16xf32>,
          %parallel_loop3A_677 = vector.shape_cast %parallel_loop3A_676 : vector<1x1x16xf32> to vector<16xf32>
          %parallel_loop3A_678 = arith.addf %parallel_loop3A_677, %parallel_loop3A_668 : vector<16xf32>
          %parallel_loop3A_679 = arith.mulf %parallel_loop3A_609, %parallel_loop3A_669 : vector<16xf32>
          %parallel_loop3A_680 = arith.addf %parallel_loop3A_678, %parallel_loop3A_679 : vector<16xf32>
          %parallel_loop3A_681 = arith.constant 0 : i32
          %parallel_loop3A_682 = arith.index_cast %parallel_loop3A_681 : i32 to index
          %parallel_loop3A_683 = arith.index_cast %parallel_loop3A_671 : i32 to index
          %parallel_loop3A_684 = arith.index_cast %parallel_loop3A_651 : i32 to index
          %parallel_loop3A_685 = tpu.vector_load %arg12[%parallel_loop3A_682, %parallel_loop3A_683, %parallel_loop3A_684] {strides = array<i32>} : memref<2x32x1024xf32, #tpu.memory_space<vmem>>, vector<1x1x16xf32>,
          %parallel_loop3A_686 = vector.shape_cast %parallel_loop3A_685 : vector<1x1x16xf32> to vector<16xf32>
          %parallel_loop3A_687 = vector.shape_cast %parallel_loop3A_680 : vector<16xf32> to vector<1x1x16xf32>
          tpu.vector_store %arg12[%parallel_loop3A_682, %parallel_loop3A_683, %parallel_loop3A_684], %parallel_loop3A_687 {strides = array<i32>} : memref<2x32x1024xf32, #tpu.memory_space<vmem>>, vector<1x1x16xf32>,
          %parallel_loop3A_688 = arith.constant 8 : i32
          %parallel_loop3A_689 = arith.addi %parallel_loop3A_688, %parallel_loop3A_597 : i32
          %parallel_loop3A_690 = arith.constant 0 : i32
          %parallel_loop3A_691 = arith.index_cast %parallel_loop3A_690 : i32 to index
          %parallel_loop3A_692 = arith.index_cast %parallel_loop3A_689 : i32 to index
          %parallel_loop3A_693 = arith.index_cast %parallel_loop3A_651 : i32 to index
          %parallel_loop3A_694 = tpu.vector_load %arg12[%parallel_loop3A_691, %parallel_loop3A_692, %parallel_loop3A_693] {strides = array<i32>} : memref<2x32x1024xf32, #tpu.memory_space<vmem>>, vector<1x1x16xf32>,
          %parallel_loop3A_695 = vector.shape_cast %parallel_loop3A_694 : vector<1x1x16xf32> to vector<16xf32>
          %parallel_loop3A_696 = arith.addf %parallel_loop3A_695, %parallel_loop3A_668 : vector<16xf32>
          %parallel_loop3A_697 = arith.mulf %parallel_loop3A_621, %parallel_loop3A_669 : vector<16xf32>
          %parallel_loop3A_698 = arith.addf %parallel_loop3A_696, %parallel_loop3A_697 : vector<16xf32>
          %parallel_loop3A_699 = arith.constant 0 : i32
          %parallel_loop3A_700 = arith.index_cast %parallel_loop3A_699 : i32 to index
          %parallel_loop3A_701 = arith.index_cast %parallel_loop3A_689 : i32 to index
          %parallel_loop3A_702 = arith.index_cast %parallel_loop3A_651 : i32 to index
          %parallel_loop3A_703 = tpu.vector_load %arg12[%parallel_loop3A_700, %parallel_loop3A_701, %parallel_loop3A_702] {strides = array<i32>} : memref<2x32x1024xf32, #tpu.memory_space<vmem>>, vector<1x1x16xf32>,
          %parallel_loop3A_704 = vector.shape_cast %parallel_loop3A_703 : vector<1x1x16xf32> to vector<16xf32>
          %parallel_loop3A_705 = vector.shape_cast %parallel_loop3A_698 : vector<16xf32> to vector<1x1x16xf32>
          tpu.vector_store %arg12[%parallel_loop3A_700, %parallel_loop3A_701, %parallel_loop3A_702], %parallel_loop3A_705 {strides = array<i32>} : memref<2x32x1024xf32, #tpu.memory_space<vmem>>, vector<1x1x16xf32>,
          %parallel_loop3A_706 = arith.constant 16 : i32
          %parallel_loop3A_707 = arith.addi %parallel_loop3A_706, %parallel_loop3A_597 : i32
          %parallel_loop3A_708 = arith.constant 0 : i32
          %parallel_loop3A_709 = arith.index_cast %parallel_loop3A_708 : i32 to index
          %parallel_loop3A_710 = arith.index_cast %parallel_loop3A_707 : i32 to index
          %parallel_loop3A_711 = arith.index_cast %parallel_loop3A_651 : i32 to index
          %parallel_loop3A_712 = tpu.vector_load %arg12[%parallel_loop3A_709, %parallel_loop3A_710, %parallel_loop3A_711] {strides = array<i32>} : memref<2x32x1024xf32, #tpu.memory_space<vmem>>, vector<1x1x16xf32>,
          %parallel_loop3A_713 = vector.shape_cast %parallel_loop3A_712 : vector<1x1x16xf32> to vector<16xf32>
          %parallel_loop3A_714 = arith.addf %parallel_loop3A_713, %parallel_loop3A_668 : vector<16xf32>
          %parallel_loop3A_715 = arith.mulf %parallel_loop3A_633, %parallel_loop3A_669 : vector<16xf32>
          %parallel_loop3A_716 = arith.addf %parallel_loop3A_714, %parallel_loop3A_715 : vector<16xf32>
          %parallel_loop3A_717 = arith.constant 0 : i32
          %parallel_loop3A_718 = arith.index_cast %parallel_loop3A_717 : i32 to index
          %parallel_loop3A_719 = arith.index_cast %parallel_loop3A_707 : i32 to index
          %parallel_loop3A_720 = arith.index_cast %parallel_loop3A_651 : i32 to index
          %parallel_loop3A_721 = tpu.vector_load %arg12[%parallel_loop3A_718, %parallel_loop3A_719, %parallel_loop3A_720] {strides = array<i32>} : memref<2x32x1024xf32, #tpu.memory_space<vmem>>, vector<1x1x16xf32>,
          %parallel_loop3A_722 = vector.shape_cast %parallel_loop3A_721 : vector<1x1x16xf32> to vector<16xf32>
          %parallel_loop3A_723 = vector.shape_cast %parallel_loop3A_716 : vector<16xf32> to vector<1x1x16xf32>
          tpu.vector_store %arg12[%parallel_loop3A_718, %parallel_loop3A_719, %parallel_loop3A_720], %parallel_loop3A_723 {strides = array<i32>} : memref<2x32x1024xf32, #tpu.memory_space<vmem>>, vector<1x1x16xf32>,
          %parallel_loop3A_724 = arith.constant 24 : i32
          %parallel_loop3A_725 = arith.addi %parallel_loop3A_724, %parallel_loop3A_597 : i32
          %parallel_loop3A_726 = arith.constant 0 : i32
          %parallel_loop3A_727 = arith.index_cast %parallel_loop3A_726 : i32 to index
          %parallel_loop3A_728 = arith.index_cast %parallel_loop3A_725 : i32 to index
          %parallel_loop3A_729 = arith.index_cast %parallel_loop3A_651 : i32 to index
          %parallel_loop3A_730 = tpu.vector_load %arg12[%parallel_loop3A_727, %parallel_loop3A_728, %parallel_loop3A_729] {strides = array<i32>} : memref<2x32x1024xf32, #tpu.memory_space<vmem>>, vector<1x1x16xf32>,
          %parallel_loop3A_731 = vector.shape_cast %parallel_loop3A_730 : vector<1x1x16xf32> to vector<16xf32>
          %parallel_loop3A_732 = arith.addf %parallel_loop3A_731, %parallel_loop3A_668 : vector<16xf32>
          %parallel_loop3A_733 = arith.mulf %parallel_loop3A_645, %parallel_loop3A_669 : vector<16xf32>
          %parallel_loop3A_734 = arith.addf %parallel_loop3A_732, %parallel_loop3A_733 : vector<16xf32>
          %parallel_loop3A_735 = arith.constant 0 : i32
          %parallel_loop3A_736 = arith.index_cast %parallel_loop3A_735 : i32 to index
          %parallel_loop3A_737 = arith.index_cast %parallel_loop3A_725 : i32 to index
          %parallel_loop3A_738 = arith.index_cast %parallel_loop3A_651 : i32 to index
          %parallel_loop3A_739 = tpu.vector_load %arg12[%parallel_loop3A_736, %parallel_loop3A_737, %parallel_loop3A_738] {strides = array<i32>} : memref<2x32x1024xf32, #tpu.memory_space<vmem>>, vector<1x1x16xf32>,
          %parallel_loop3A_740 = vector.shape_cast %parallel_loop3A_739 : vector<1x1x16xf32> to vector<16xf32>
          %parallel_loop3A_741 = vector.shape_cast %parallel_loop3A_734 : vector<16xf32> to vector<1x1x16xf32>
          tpu.vector_store %arg12[%parallel_loop3A_736, %parallel_loop3A_737, %parallel_loop3A_738], %parallel_loop3A_741 {strides = array<i32>} : memref<2x32x1024xf32, #tpu.memory_space<vmem>>, vector<1x1x16xf32>,
        } {sc.loop_unroll_factor = 8 : i64, sc.parallel_access}
      } {sc.loop_unroll_factor = 1 : i64, sc.parallel_access}
      %mul3A_388 = arith.constant 8 : i32
      %mul3A_389 = arith.muli %mul3A_281, %mul3A_388 : i32
      %add3A_390 = arith.addi %mul3A_2, %mul3A_389 : i32
      %dma_start3A_391 = arith.constant 0 : i32
      %dma_start3A_392 = arith.constant 0 : i32
      %dma_start3A_393 = arith.constant 0 : i32
      %dma_start3A_394 = arith.constant 0 : i32
      %dma_start3A_395 = tpu.memref_slice %arg12[%dma_start3A_391, %dma_start3A_393, %dma_start3A_394] : memref<2x32x1024xf32, #tpu.memory_space<vmem>> -> memref<1x8x1024xf32, #tpu.memory_space<vmem>>
      %dma_start3A_396 = tpu.memref_squeeze %dma_start3A_395 : memref<1x8x1024xf32, #tpu.memory_space<vmem>> -> memref<8x1024xf32, #tpu.memory_space<vmem>>
      %dma_start3A_397 = arith.constant 0 : i32
      %dma_start3A_398 = tpu.memref_slice %arg7[%dma_start3A_392, %add3A_390, %dma_start3A_397] : memref<4x2048x1024xf32, #tpu.memory_space<hbm>> -> memref<1x8x1024xf32, #tpu.memory_space<hbm>>
      %dma_start3A_399 = tpu.memref_squeeze %dma_start3A_398 : memref<1x8x1024xf32, #tpu.memory_space<hbm>> -> memref<8x1024xf32, #tpu.memory_space<hbm>>
      %dma_start3A_400 = arith.constant 0 : i32
      %dma_start3A_401 = tpu.memref_slice %arg7[%dma_start3A_392, %add3A_390, %dma_start3A_400] : memref<4x2048x1024xf32, #tpu.memory_space<hbm>> -> memref<1x8x1024xf32, #tpu.memory_space<hbm>>
      %dma_start3A_402 = tpu.memref_squeeze %dma_start3A_401 : memref<1x8x1024xf32, #tpu.memory_space<hbm>> -> memref<8x1024xf32, #tpu.memory_space<hbm>>
      %dma_start3A_403 = arith.constant 0 : i32
      %dma_start3A_404 = arith.constant 0 : i32
      %dma_start3A_405 = tpu.memref_slice %arg12[%dma_start3A_391, %dma_start3A_403, %dma_start3A_404] : memref<2x32x1024xf32, #tpu.memory_space<vmem>> -> memref<1x8x1024xf32, #tpu.memory_space<vmem>>
      %dma_start3A_406 = tpu.memref_squeeze %dma_start3A_405 : memref<1x8x1024xf32, #tpu.memory_space<vmem>> -> memref<8x1024xf32, #tpu.memory_space<vmem>>
      tpu.enqueue_dma source(%dma_start3A_406 : memref<8x1024xf32, #tpu.memory_space<vmem>>) target(%dma_start3A_402 : memref<8x1024xf32, #tpu.memory_space<hbm>>) target_semaphore(%arg16 : memref<!tpu.dma_semaphore, #tpu.memory_space<semaphore_mem>>)
      %mul3A_407 = arith.constant 8 : i32
      %mul3A_408 = arith.muli %mul3A_281, %mul3A_407 : i32
      %add3A_409 = arith.addi %mul3A_2, %mul3A_408 : i32
      %dma_start3A_410 = arith.constant 0 : i32
      %dma_start3A_411 = arith.constant 1 : i32
      %dma_start3A_412 = arith.constant 8 : i32
      %dma_start3A_413 = arith.constant 0 : i32
      %dma_start3A_414 = tpu.memref_slice %arg12[%dma_start3A_410, %dma_start3A_412, %dma_start3A_413] : memref<2x32x1024xf32, #tpu.memory_space<vmem>> -> memref<1x8x1024xf32, #tpu.memory_space<vmem>>
      %dma_start3A_415 = tpu.memref_squeeze %dma_start3A_414 : memref<1x8x1024xf32, #tpu.memory_space<vmem>> -> memref<8x1024xf32, #tpu.memory_space<vmem>>
      %dma_start3A_416 = arith.constant 0 : i32
      %dma_start3A_417 = tpu.memref_slice %arg7[%dma_start3A_411, %add3A_409, %dma_start3A_416] : memref<4x2048x1024xf32, #tpu.memory_space<hbm>> -> memref<1x8x1024xf32, #tpu.memory_space<hbm>>
      %dma_start3A_418 = tpu.memref_squeeze %dma_start3A_417 : memref<1x8x1024xf32, #tpu.memory_space<hbm>> -> memref<8x1024xf32, #tpu.memory_space<hbm>>
      %dma_start3A_419 = arith.constant 0 : i32
      %dma_start3A_420 = tpu.memref_slice %arg7[%dma_start3A_411, %add3A_409, %dma_start3A_419] : memref<4x2048x1024xf32, #tpu.memory_space<hbm>> -> memref<1x8x1024xf32, #tpu.memory_space<hbm>>
      %dma_start3A_421 = tpu.memref_squeeze %dma_start3A_420 : memref<1x8x1024xf32, #tpu.memory_space<hbm>> -> memref<8x1024xf32, #tpu.memory_space<hbm>>
      %dma_start3A_422 = arith.constant 8 : i32
      %dma_start3A_423 = arith.constant 0 : i32
      %dma_start3A_424 = tpu.memref_slice %arg12[%dma_start3A_410, %dma_start3A_422, %dma_start3A_423] : memref<2x32x1024xf32, #tpu.memory_space<vmem>> -> memref<1x8x1024xf32, #tpu.memory_space<vmem>>
      %dma_start3A_425 = tpu.memref_squeeze %dma_start3A_424 : memref<1x8x1024xf32, #tpu.memory_space<vmem>> -> memref<8x1024xf32, #tpu.memory_space<vmem>>
      tpu.enqueue_dma source(%dma_start3A_425 : memref<8x1024xf32, #tpu.memory_space<vmem>>) target(%dma_start3A_421 : memref<8x1024xf32, #tpu.memory_space<hbm>>) target_semaphore(%arg16 : memref<!tpu.dma_semaphore, #tpu.memory_space<semaphore_mem>>)
      %mul3A_426 = arith.constant 8 : i32
      %mul3A_427 = arith.muli %mul3A_281, %mul3A_426 : i32
      %add3A_428 = arith.addi %mul3A_2, %mul3A_427 : i32
      %dma_start3A_429 = arith.constant 0 : i32
      %dma_start3A_430 = arith.constant 2 : i32
      %dma_start3A_431 = arith.constant 16 : i32
      %dma_start3A_432 = arith.constant 0 : i32
      %dma_start3A_433 = tpu.memref_slice %arg12[%dma_start3A_429, %dma_start3A_431, %dma_start3A_432] : memref<2x32x1024xf32, #tpu.memory_space<vmem>> -> memref<1x8x1024xf32, #tpu.memory_space<vmem>>
      %dma_start3A_434 = tpu.memref_squeeze %dma_start3A_433 : memref<1x8x1024xf32, #tpu.memory_space<vmem>> -> memref<8x1024xf32, #tpu.memory_space<vmem>>
      %dma_start3A_435 = arith.constant 0 : i32
      %dma_start3A_436 = tpu.memref_slice %arg7[%dma_start3A_430, %add3A_428, %dma_start3A_435] : memref<4x2048x1024xf32, #tpu.memory_space<hbm>> -> memref<1x8x1024xf32, #tpu.memory_space<hbm>>
      %dma_start3A_437 = tpu.memref_squeeze %dma_start3A_436 : memref<1x8x1024xf32, #tpu.memory_space<hbm>> -> memref<8x1024xf32, #tpu.memory_space<hbm>>
      %dma_start3A_438 = arith.constant 0 : i32
      %dma_start3A_439 = tpu.memref_slice %arg7[%dma_start3A_430, %add3A_428, %dma_start3A_438] : memref<4x2048x1024xf32, #tpu.memory_space<hbm>> -> memref<1x8x1024xf32, #tpu.memory_space<hbm>>
      %dma_start3A_440 = tpu.memref_squeeze %dma_start3A_439 : memref<1x8x1024xf32, #tpu.memory_space<hbm>> -> memref<8x1024xf32, #tpu.memory_space<hbm>>
      %dma_start3A_441 = arith.constant 16 : i32
      %dma_start3A_442 = arith.constant 0 : i32
      %dma_start3A_443 = tpu.memref_slice %arg12[%dma_start3A_429, %dma_start3A_441, %dma_start3A_442] : memref<2x32x1024xf32, #tpu.memory_space<vmem>> -> memref<1x8x1024xf32, #tpu.memory_space<vmem>>
      %dma_start3A_444 = tpu.memref_squeeze %dma_start3A_443 : memref<1x8x1024xf32, #tpu.memory_space<vmem>> -> memref<8x1024xf32, #tpu.memory_space<vmem>>
      tpu.enqueue_dma source(%dma_start3A_444 : memref<8x1024xf32, #tpu.memory_space<vmem>>) target(%dma_start3A_440 : memref<8x1024xf32, #tpu.memory_space<hbm>>) target_semaphore(%arg16 : memref<!tpu.dma_semaphore, #tpu.memory_space<semaphore_mem>>)
      %mul3A_445 = arith.constant 8 : i32
      %mul3A_446 = arith.muli %mul3A_281, %mul3A_445 : i32
      %add3A_447 = arith.addi %mul3A_2, %mul3A_446 : i32
      %dma_start3A_448 = arith.constant 0 : i32
      %dma_start3A_449 = arith.constant 3 : i32
      %dma_start3A_450 = arith.constant 24 : i32
      %dma_start3A_451 = arith.constant 0 : i32
      %dma_start3A_452 = tpu.memref_slice %arg12[%dma_start3A_448, %dma_start3A_450, %dma_start3A_451] : memref<2x32x1024xf32, #tpu.memory_space<vmem>> -> memref<1x8x1024xf32, #tpu.memory_space<vmem>>
      %dma_start3A_453 = tpu.memref_squeeze %dma_start3A_452 : memref<1x8x1024xf32, #tpu.memory_space<vmem>> -> memref<8x1024xf32, #tpu.memory_space<vmem>>
      %dma_start3A_454 = arith.constant 0 : i32
      %dma_start3A_455 = tpu.memref_slice %arg7[%dma_start3A_449, %add3A_447, %dma_start3A_454] : memref<4x2048x1024xf32, #tpu.memory_space<hbm>> -> memref<1x8x1024xf32, #tpu.memory_space<hbm>>
      %dma_start3A_456 = tpu.memref_squeeze %dma_start3A_455 : memref<1x8x1024xf32, #tpu.memory_space<hbm>> -> memref<8x1024xf32, #tpu.memory_space<hbm>>
      %dma_start3A_457 = arith.constant 0 : i32
      %dma_start3A_458 = tpu.memref_slice %arg7[%dma_start3A_449, %add3A_447, %dma_start3A_457] : memref<4x2048x1024xf32, #tpu.memory_space<hbm>> -> memref<1x8x1024xf32, #tpu.memory_space<hbm>>
      %dma_start3A_459 = tpu.memref_squeeze %dma_start3A_458 : memref<1x8x1024xf32, #tpu.memory_space<hbm>> -> memref<8x1024xf32, #tpu.memory_space<hbm>>
      %dma_start3A_460 = arith.constant 24 : i32
      %dma_start3A_461 = arith.constant 0 : i32
      %dma_start3A_462 = tpu.memref_slice %arg12[%dma_start3A_448, %dma_start3A_460, %dma_start3A_461] : memref<2x32x1024xf32, #tpu.memory_space<vmem>> -> memref<1x8x1024xf32, #tpu.memory_space<vmem>>
      %dma_start3A_463 = tpu.memref_squeeze %dma_start3A_462 : memref<1x8x1024xf32, #tpu.memory_space<vmem>> -> memref<8x1024xf32, #tpu.memory_space<vmem>>
      tpu.enqueue_dma source(%dma_start3A_463 : memref<8x1024xf32, #tpu.memory_space<vmem>>) target(%dma_start3A_459 : memref<8x1024xf32, #tpu.memory_space<hbm>>) target_semaphore(%arg16 : memref<!tpu.dma_semaphore, #tpu.memory_space<semaphore_mem>>)
      %dma_wait3A_464 = arith.constant 0 : i32
      %dma_wait3A_465 = arith.constant 0 : i32
      %dma_wait3A_466 = arith.constant 0 : i32
      %dma_wait3A_467 = arith.constant 0 : i32
      %dma_wait3A_468 = tpu.memref_slice %arg12[%dma_wait3A_464, %dma_wait3A_466, %dma_wait3A_467] : memref<2x32x1024xf32, #tpu.memory_space<vmem>> -> memref<1x32x1024xf32, #tpu.memory_space<vmem>>
      %dma_wait3A_469 = tpu.memref_squeeze %dma_wait3A_468 : memref<1x32x1024xf32, #tpu.memory_space<vmem>> -> memref<32x1024xf32, #tpu.memory_space<vmem>>
      %dma_wait3A_470 = arith.constant 0 : i32
      %dma_wait3A_471 = arith.constant 0 : i32
      %dma_wait3A_472 = tpu.memref_slice %arg7[%dma_wait3A_465, %dma_wait3A_470, %dma_wait3A_471] : memref<4x2048x1024xf32, #tpu.memory_space<hbm>> -> memref<1x32x1024xf32, #tpu.memory_space<hbm>>
      %dma_wait3A_473 = tpu.memref_squeeze %dma_wait3A_472 : memref<1x32x1024xf32, #tpu.memory_space<hbm>> -> memref<32x1024xf32, #tpu.memory_space<hbm>>
      %dma_wait3A_474 = arith.constant 0 : i32
      %dma_wait3A_475 = arith.constant 0 : i32
      %dma_wait3A_476 = tpu.memref_slice %arg7[%dma_wait3A_465, %dma_wait3A_474, %dma_wait3A_475] : memref<4x2048x1024xf32, #tpu.memory_space<hbm>> -> memref<1x32x1024xf32, #tpu.memory_space<hbm>>
      %dma_wait3A_477 = tpu.memref_squeeze %dma_wait3A_476 : memref<1x32x1024xf32, #tpu.memory_space<hbm>> -> memref<32x1024xf32, #tpu.memory_space<hbm>>
      %dma_wait3A_478 = arith.constant 0 : i32
      %dma_wait3A_479 = arith.constant 0 : i32
      %dma_wait3A_480 = tpu.memref_slice %arg12[%dma_wait3A_464, %dma_wait3A_478, %dma_wait3A_479] : memref<2x32x1024xf32, #tpu.memory_space<vmem>> -> memref<1x32x1024xf32, #tpu.memory_space<vmem>>
      %dma_wait3A_481 = tpu.memref_squeeze %dma_wait3A_480 : memref<1x32x1024xf32, #tpu.memory_space<vmem>> -> memref<32x1024xf32, #tpu.memory_space<vmem>>
      tpu.wait_dma2 semaphore(%arg16 : memref<!tpu.dma_semaphore, #tpu.memory_space<semaphore_mem>>) src(%dma_wait3A_481 : memref<32x1024xf32, #tpu.memory_space<vmem>>) dst(%dma_wait3A_477 : memref<32x1024xf32, #tpu.memory_space<hbm>>)
      %add3A_482 = arith.constant 1 : i32
      %add3A_483 = arith.addi %scan3A_279, %add3A_482 : i32
      %lt3A = arith.constant 4 : i32
      %lt3A_484 = arith.cmpi slt, %add3A_483, %lt3A : i32
      %convert_element_type3A_485 = arith.extui %lt3A_484 : i1 to i32
      %cond3A_486 = arith.constant 0 : i32
      %cond3A_487 = arith.cmpi ne, %convert_element_type3A_485, %cond3A_486 : i32
      scf.if %cond3A_487 {
        %add3A_597 = arith.constant 2 : i32
        %add3A_598 = arith.addi %mul3A_281, %add3A_597 : i32
        %mul3A_599 = arith.constant 8 : i32
        %mul3A_600 = arith.muli %add3A_598, %mul3A_599 : i32
        %dma_start3A_601 = arith.constant 0 : i32
        %dma_start3A_602 = arith.constant 0 : i32
        %dma_start3A_603 = arith.constant 0 : i32
        %dma_start3A_604 = arith.constant 0 : i32
        %dma_start3A_605 = tpu.memref_slice %arg12[%dma_start3A_602, %dma_start3A_603, %dma_start3A_604] : memref<2x32x1024xf32, #tpu.memory_space<vmem>> -> memref<1x8x1024xf32, #tpu.memory_space<vmem>>
        %dma_start3A_606 = tpu.memref_squeeze %dma_start3A_605 : memref<1x8x1024xf32, #tpu.memory_space<vmem>> -> memref<8x1024xf32, #tpu.memory_space<vmem>>
        %dma_start3A_607 = tpu.memref_slice %arg8[%dma_start3A_601, %mul3A_600] : memref<4x64xi32, #tpu.memory_space<vmem>> -> memref<1x8xi32, #tpu.memory_space<vmem>>
        %dma_start3A_608 = tpu.memref_squeeze %dma_start3A_607 : memref<1x8xi32, #tpu.memory_space<vmem>> -> memref<8xi32, #tpu.memory_space<vmem>>
        %dma_start3A_609 = arith.constant 0 : i32
        %dma_start3A_610 = arith.constant 0 : i32
        %dma_start3A_611 = tpu.memref_slice %arg4[%dma_start3A_609, %dma_start3A_610] : memref<30522x1024xf32, #tpu.memory_space<hbm>> -> memref<30522x1024xf32, #tpu.memory_space<hbm>>
        tpu.enqueue_indirect_dma source(%dma_start3A_611 : memref<30522x1024xf32, #tpu.memory_space<hbm>>) target(%dma_start3A_606 : memref<8x1024xf32, #tpu.memory_space<vmem>>) offsets(%dma_start3A_608 : memref<8xi32, #tpu.memory_space<vmem>>) semaphore(%arg14 : memref<!tpu.dma_semaphore, #tpu.memory_space<semaphore_mem>>)
        %mul3A_612 = arith.constant 8 : i32
        %mul3A_613 = arith.muli %add3A_598, %mul3A_612 : i32
        %dma_start3A_614 = arith.constant 1 : i32
        %dma_start3A_615 = arith.constant 0 : i32
        %dma_start3A_616 = arith.constant 8 : i32
        %dma_start3A_617 = arith.constant 0 : i32
        %dma_start3A_618 = tpu.memref_slice %arg12[%dma_start3A_615, %dma_start3A_616, %dma_start3A_617] : memref<2x32x1024xf32, #tpu.memory_space<vmem>> -> memref<1x8x1024xf32, #tpu.memory_space<vmem>>
        %dma_start3A_619 = tpu.memref_squeeze %dma_start3A_618 : memref<1x8x1024xf32, #tpu.memory_space<vmem>> -> memref<8x1024xf32, #tpu.memory_space<vmem>>
        %dma_start3A_620 = tpu.memref_slice %arg8[%dma_start3A_614, %mul3A_613] : memref<4x64xi32, #tpu.memory_space<vmem>> -> memref<1x8xi32, #tpu.memory_space<vmem>>
        %dma_start3A_621 = tpu.memref_squeeze %dma_start3A_620 : memref<1x8xi32, #tpu.memory_space<vmem>> -> memref<8xi32, #tpu.memory_space<vmem>>
        %dma_start3A_622 = arith.constant 0 : i32
        %dma_start3A_623 = arith.constant 0 : i32
        %dma_start3A_624 = tpu.memref_slice %arg4[%dma_start3A_622, %dma_start3A_623] : memref<30522x1024xf32, #tpu.memory_space<hbm>> -> memref<30522x1024xf32, #tpu.memory_space<hbm>>
        tpu.enqueue_indirect_dma source(%dma_start3A_624 : memref<30522x1024xf32, #tpu.memory_space<hbm>>) target(%dma_start3A_619 : memref<8x1024xf32, #tpu.memory_space<vmem>>) offsets(%dma_start3A_621 : memref<8xi32, #tpu.memory_space<vmem>>) semaphore(%arg14 : memref<!tpu.dma_semaphore, #tpu.memory_space<semaphore_mem>>)
        %mul3A_625 = arith.constant 8 : i32
        %mul3A_626 = arith.muli %add3A_598, %mul3A_625 : i32
        %dma_start3A_627 = arith.constant 2 : i32
        %dma_start3A_628 = arith.constant 0 : i32
        %dma_start3A_629 = arith.constant 16 : i32
        %dma_start3A_630 = arith.constant 0 : i32
        %dma_start3A_631 = tpu.memref_slice %arg12[%dma_start3A_628, %dma_start3A_629, %dma_start3A_630] : memref<2x32x1024xf32, #tpu.memory_space<vmem>> -> memref<1x8x1024xf32, #tpu.memory_space<vmem>>
        %dma_start3A_632 = tpu.memref_squeeze %dma_start3A_631 : memref<1x8x1024xf32, #tpu.memory_space<vmem>> -> memref<8x1024xf32, #tpu.memory_space<vmem>>
        %dma_start3A_633 = tpu.memref_slice %arg8[%dma_start3A_627, %mul3A_626] : memref<4x64xi32, #tpu.memory_space<vmem>> -> memref<1x8xi32, #tpu.memory_space<vmem>>
        %dma_start3A_634 = tpu.memref_squeeze %dma_start3A_633 : memref<1x8xi32, #tpu.memory_space<vmem>> -> memref<8xi32, #tpu.memory_space<vmem>>
        %dma_start3A_635 = arith.constant 0 : i32
        %dma_start3A_636 = arith.constant 0 : i32
        %dma_start3A_637 = tpu.memref_slice %arg4[%dma_start3A_635, %dma_start3A_636] : memref<30522x1024xf32, #tpu.memory_space<hbm>> -> memref<30522x1024xf32, #tpu.memory_space<hbm>>
        tpu.enqueue_indirect_dma source(%dma_start3A_637 : memref<30522x1024xf32, #tpu.memory_space<hbm>>) target(%dma_start3A_632 : memref<8x1024xf32, #tpu.memory_space<vmem>>) offsets(%dma_start3A_634 : memref<8xi32, #tpu.memory_space<vmem>>) semaphore(%arg14 : memref<!tpu.dma_semaphore, #tpu.memory_space<semaphore_mem>>)
        %mul3A_638 = arith.constant 8 : i32
        %mul3A_639 = arith.muli %add3A_598, %mul3A_638 : i32
        %dma_start3A_640 = arith.constant 3 : i32
        %dma_start3A_641 = arith.constant 0 : i32
        %dma_start3A_642 = arith.constant 24 : i32
        %dma_start3A_643 = arith.constant 0 : i32
        %dma_start3A_644 = tpu.memref_slice %arg12[%dma_start3A_641, %dma_start3A_642, %dma_start3A_643] : memref<2x32x1024xf32, #tpu.memory_space<vmem>> -> memref<1x8x1024xf32, #tpu.memory_space<vmem>>
        %dma_start3A_645 = tpu.memref_squeeze %dma_start3A_644 : memref<1x8x1024xf32, #tpu.memory_space<vmem>> -> memref<8x1024xf32, #tpu.memory_space<vmem>>
        %dma_start3A_646 = tpu.memref_slice %arg8[%dma_start3A_640, %mul3A_639] : memref<4x64xi32, #tpu.memory_space<vmem>> -> memref<1x8xi32, #tpu.memory_space<vmem>>
        %dma_start3A_647 = tpu.memref_squeeze %dma_start3A_646 : memref<1x8xi32, #tpu.memory_space<vmem>> -> memref<8xi32, #tpu.memory_space<vmem>>
        %dma_start3A_648 = arith.constant 0 : i32
        %dma_start3A_649 = arith.constant 0 : i32
        %dma_start3A_650 = tpu.memref_slice %arg4[%dma_start3A_648, %dma_start3A_649] : memref<30522x1024xf32, #tpu.memory_space<hbm>> -> memref<30522x1024xf32, #tpu.memory_space<hbm>>
        tpu.enqueue_indirect_dma source(%dma_start3A_650 : memref<30522x1024xf32, #tpu.memory_space<hbm>>) target(%dma_start3A_645 : memref<8x1024xf32, #tpu.memory_space<vmem>>) offsets(%dma_start3A_647 : memref<8xi32, #tpu.memory_space<vmem>>) semaphore(%arg14 : memref<!tpu.dma_semaphore, #tpu.memory_space<semaphore_mem>>)
        %add3A_651 = arith.constant 2 : i32
        %add3A_652 = arith.addi %mul3A_281, %add3A_651 : i32
        %mul3A_653 = arith.constant 8 : i32
        %mul3A_654 = arith.muli %add3A_652, %mul3A_653 : i32
        %add3A_655 = arith.addi %mul3A_2, %mul3A_654 : i32
        %dma_start3A_656 = arith.constant 0 : i32
        %dma_start3A_657 = arith.constant 0 : i32
        %dma_start3A_658 = arith.constant 0 : i32
        %dma_start3A_659 = tpu.memref_slice %arg11[%dma_start3A_656, %dma_start3A_657, %dma_start3A_658] : memref<2x8x1024xf32, #tpu.memory_space<vmem>> -> memref<1x8x1024xf32, #tpu.memory_space<vmem>>
        %dma_start3A_660 = tpu.memref_squeeze %dma_start3A_659 : memref<1x8x1024xf32, #tpu.memory_space<vmem>> -> memref<8x1024xf32, #tpu.memory_space<vmem>>
        %dma_start3A_661 = arith.constant 0 : i32
        %dma_start3A_662 = tpu.memref_slice %arg6[%add3A_655, %dma_start3A_661] : memref<2048x1024xf32, #tpu.memory_space<hbm>> -> memref<8x1024xf32, #tpu.memory_space<hbm>>
        %dma_start3A_663 = arith.constant 0 : i32
        %dma_start3A_664 = arith.constant 0 : i32
        %dma_start3A_665 = tpu.memref_slice %arg11[%dma_start3A_656, %dma_start3A_663, %dma_start3A_664] : memref<2x8x1024xf32, #tpu.memory_space<vmem>> -> memref<1x8x1024xf32, #tpu.memory_space<vmem>>
        %dma_start3A_666 = tpu.memref_squeeze %dma_start3A_665 : memref<1x8x1024xf32, #tpu.memory_space<vmem>> -> memref<8x1024xf32, #tpu.memory_space<vmem>>
        %dma_start3A_667 = arith.constant 0 : i32
        %dma_start3A_668 = tpu.memref_slice %arg6[%add3A_655, %dma_start3A_667] : memref<2048x1024xf32, #tpu.memory_space<hbm>> -> memref<8x1024xf32, #tpu.memory_space<hbm>>
        tpu.enqueue_dma source(%dma_start3A_668 : memref<8x1024xf32, #tpu.memory_space<hbm>>) target(%dma_start3A_666 : memref<8x1024xf32, #tpu.memory_space<vmem>>) target_semaphore(%arg18 : memref<!tpu.dma_semaphore, #tpu.memory_space<semaphore_mem>>)
      } else {
      }
      %dma_wait3A_488 = arith.constant 1 : i32
      %dma_wait3A_489 = arith.constant 0 : i32
      %dma_wait3A_490 = arith.constant 0 : i32
      %dma_wait3A_491 = tpu.memref_slice %arg12[%dma_wait3A_488, %dma_wait3A_489, %dma_wait3A_490] : memref<2x32x1024xf32, #tpu.memory_space<vmem>> -> memref<1x32x1024xf32, #tpu.memory_space<vmem>>
      %dma_wait3A_492 = tpu.memref_squeeze %dma_wait3A_491 : memref<1x32x1024xf32, #tpu.memory_space<vmem>> -> memref<32x1024xf32, #tpu.memory_space<vmem>>
      %dma_wait3A_493 = arith.constant 0 : i32
      %dma_wait3A_494 = arith.constant 0 : i32
      %dma_wait3A_495 = tpu.memref_slice %arg4[%dma_wait3A_493, %dma_wait3A_494] : memref<30522x1024xf32, #tpu.memory_space<hbm>> -> memref<32x1024xf32, #tpu.memory_space<hbm>>
      %dma_wait3A_496 = arith.constant 0 : i32
      %dma_wait3A_497 = arith.constant 0 : i32
      %dma_wait3A_498 = tpu.memref_slice %arg12[%dma_wait3A_488, %dma_wait3A_496, %dma_wait3A_497] : memref<2x32x1024xf32, #tpu.memory_space<vmem>> -> memref<1x32x1024xf32, #tpu.memory_space<vmem>>
      %dma_wait3A_499 = tpu.memref_squeeze %dma_wait3A_498 : memref<1x32x1024xf32, #tpu.memory_space<vmem>> -> memref<32x1024xf32, #tpu.memory_space<vmem>>
      %dma_wait3A_500 = arith.constant 0 : i32
      %dma_wait3A_501 = arith.constant 0 : i32
      %dma_wait3A_502 = tpu.memref_slice %arg4[%dma_wait3A_500, %dma_wait3A_501] : memref<30522x1024xf32, #tpu.memory_space<hbm>> -> memref<32x1024xf32, #tpu.memory_space<hbm>>
      tpu.wait_dma2 semaphore(%arg15 : memref<!tpu.dma_semaphore, #tpu.memory_space<semaphore_mem>>) src(%dma_wait3A_502 : memref<32x1024xf32, #tpu.memory_space<hbm>>) dst(%dma_wait3A_499 : memref<32x1024xf32, #tpu.memory_space<vmem>>)
      %dma_wait3A_503 = arith.constant 1 : i32
      %dma_wait3A_504 = arith.constant 0 : i32
      %dma_wait3A_505 = arith.constant 0 : i32
      %dma_wait3A_506 = tpu.memref_slice %arg11[%dma_wait3A_503, %dma_wait3A_504, %dma_wait3A_505] : memref<2x8x1024xf32, #tpu.memory_space<vmem>> -> memref<1x8x1024xf32, #tpu.memory_space<vmem>>
      %dma_wait3A_507 = tpu.memref_squeeze %dma_wait3A_506 : memref<1x8x1024xf32, #tpu.memory_space<vmem>> -> memref<8x1024xf32, #tpu.memory_space<vmem>>
      %dma_wait3A_508 = arith.constant 0 : i32
      %dma_wait3A_509 = arith.constant 0 : i32
      %dma_wait3A_510 = tpu.memref_slice %arg6[%dma_wait3A_508, %dma_wait3A_509] : memref<2048x1024xf32, #tpu.memory_space<hbm>> -> memref<8x1024xf32, #tpu.memory_space<hbm>>
      %dma_wait3A_511 = arith.constant 0 : i32
      %dma_wait3A_512 = arith.constant 0 : i32
      %dma_wait3A_513 = tpu.memref_slice %arg11[%dma_wait3A_503, %dma_wait3A_511, %dma_wait3A_512] : memref<2x8x1024xf32, #tpu.memory_space<vmem>> -> memref<1x8x1024xf32, #tpu.memory_space<vmem>>
      %dma_wait3A_514 = tpu.memref_squeeze %dma_wait3A_513 : memref<1x8x1024xf32, #tpu.memory_space<vmem>> -> memref<8x1024xf32, #tpu.memory_space<vmem>>
      %dma_wait3A_515 = arith.constant 0 : i32
      %dma_wait3A_516 = arith.constant 0 : i32
      %dma_wait3A_517 = tpu.memref_slice %arg6[%dma_wait3A_515, %dma_wait3A_516] : memref<2048x1024xf32, #tpu.memory_space<hbm>> -> memref<8x1024xf32, #tpu.memory_space<hbm>>
      tpu.wait_dma2 semaphore(%arg19 : memref<!tpu.dma_semaphore, #tpu.memory_space<semaphore_mem>>) src(%dma_wait3A_517 : memref<8x1024xf32, #tpu.memory_space<hbm>>) dst(%dma_wait3A_514 : memref<8x1024xf32, #tpu.memory_space<vmem>>)
      %parallel_loop3A_518 = arith.constant 0 : i32
      %parallel_loop3A_519 = arith.constant 8 : i32
      %parallel_loop3A_520 = arith.constant 1 : i32
      scf.for %parallel_loop3A_597 = %parallel_loop3A_518 to %parallel_loop3A_519 step %parallel_loop3A_520  : i32 {
        %parallel_loop3A_598 = arith.constant 8 : i32
        %parallel_loop3A_599 = arith.muli %add3A_285, %parallel_loop3A_598 : i32
        %parallel_loop3A_600 = arith.addi %parallel_loop3A_599, %parallel_loop3A_597 : i32
        %parallel_loop3A_601 = arith.constant 0 : i32
        %parallel_loop3A_602 = arith.index_cast %parallel_loop3A_601 : i32 to index
        %parallel_loop3A_603 = arith.index_cast %parallel_loop3A_600 : i32 to index
        %parallel_loop3A_604 = tpu.vector_load %arg9[%parallel_loop3A_602, %parallel_loop3A_603] {strides = array<i32>} : memref<4x80xi32, #tpu.memory_space<vmem>>, vector<1x16xi32>,
        %parallel_loop3A_605 = vector.shape_cast %parallel_loop3A_604 : vector<1x16xi32> to vector<16xi32>
        %parallel_loop3A_606 = vector.extract_strided_slice %parallel_loop3A_605 {offsets = [0], sizes = [1], strides = [1]} : vector<16xi32> to vector<1xi32>
        %parallel_loop3A_607 = vector.extract %parallel_loop3A_606[0] : i32 from vector<1xi32>
        %parallel_loop3A_608 = arith.sitofp %parallel_loop3A_607 : i32 to f32
        %parallel_loop3A_609 = vector.broadcast %parallel_loop3A_608 : f32 to vector<16xf32>
        %parallel_loop3A_610 = arith.constant 8 : i32
        %parallel_loop3A_611 = arith.muli %add3A_285, %parallel_loop3A_610 : i32
        %parallel_loop3A_612 = arith.addi %parallel_loop3A_611, %parallel_loop3A_597 : i32
        %parallel_loop3A_613 = arith.constant 1 : i32
        %parallel_loop3A_614 = arith.index_cast %parallel_loop3A_613 : i32 to index
        %parallel_loop3A_615 = arith.index_cast %parallel_loop3A_612 : i32 to index
        %parallel_loop3A_616 = tpu.vector_load %arg9[%parallel_loop3A_614, %parallel_loop3A_615] {strides = array<i32>} : memref<4x80xi32, #tpu.memory_space<vmem>>, vector<1x16xi32>,
        %parallel_loop3A_617 = vector.shape_cast %parallel_loop3A_616 : vector<1x16xi32> to vector<16xi32>
        %parallel_loop3A_618 = vector.extract_strided_slice %parallel_loop3A_617 {offsets = [0], sizes = [1], strides = [1]} : vector<16xi32> to vector<1xi32>
        %parallel_loop3A_619 = vector.extract %parallel_loop3A_618[0] : i32 from vector<1xi32>
        %parallel_loop3A_620 = arith.sitofp %parallel_loop3A_619 : i32 to f32
        %parallel_loop3A_621 = vector.broadcast %parallel_loop3A_620 : f32 to vector<16xf32>
        %parallel_loop3A_622 = arith.constant 8 : i32
        %parallel_loop3A_623 = arith.muli %add3A_285, %parallel_loop3A_622 : i32
        %parallel_loop3A_624 = arith.addi %parallel_loop3A_623, %parallel_loop3A_597 : i32
        %parallel_loop3A_625 = arith.constant 2 : i32
        %parallel_loop3A_626 = arith.index_cast %parallel_loop3A_625 : i32 to index
        %parallel_loop3A_627 = arith.index_cast %parallel_loop3A_624 : i32 to index
        %parallel_loop3A_628 = tpu.vector_load %arg9[%parallel_loop3A_626, %parallel_loop3A_627] {strides = array<i32>} : memref<4x80xi32, #tpu.memory_space<vmem>>, vector<1x16xi32>,
        %parallel_loop3A_629 = vector.shape_cast %parallel_loop3A_628 : vector<1x16xi32> to vector<16xi32>
        %parallel_loop3A_630 = vector.extract_strided_slice %parallel_loop3A_629 {offsets = [0], sizes = [1], strides = [1]} : vector<16xi32> to vector<1xi32>
        %parallel_loop3A_631 = vector.extract %parallel_loop3A_630[0] : i32 from vector<1xi32>
        %parallel_loop3A_632 = arith.sitofp %parallel_loop3A_631 : i32 to f32
        %parallel_loop3A_633 = vector.broadcast %parallel_loop3A_632 : f32 to vector<16xf32>
        %parallel_loop3A_634 = arith.constant 8 : i32
        %parallel_loop3A_635 = arith.muli %add3A_285, %parallel_loop3A_634 : i32
        %parallel_loop3A_636 = arith.addi %parallel_loop3A_635, %parallel_loop3A_597 : i32
        %parallel_loop3A_637 = arith.constant 3 : i32
        %parallel_loop3A_638 = arith.index_cast %parallel_loop3A_637 : i32 to index
        %parallel_loop3A_639 = arith.index_cast %parallel_loop3A_636 : i32 to index
        %parallel_loop3A_640 = tpu.vector_load %arg9[%parallel_loop3A_638, %parallel_loop3A_639] {strides = array<i32>} : memref<4x80xi32, #tpu.memory_space<vmem>>, vector<1x16xi32>,
        %parallel_loop3A_641 = vector.shape_cast %parallel_loop3A_640 : vector<1x16xi32> to vector<16xi32>
        %parallel_loop3A_642 = vector.extract_strided_slice %parallel_loop3A_641 {offsets = [0], sizes = [1], strides = [1]} : vector<16xi32> to vector<1xi32>
        %parallel_loop3A_643 = vector.extract %parallel_loop3A_642[0] : i32 from vector<1xi32>
        %parallel_loop3A_644 = arith.sitofp %parallel_loop3A_643 : i32 to f32
        %parallel_loop3A_645 = vector.broadcast %parallel_loop3A_644 : f32 to vector<16xf32>
        %parallel_loop3A_646 = arith.constant 0 : i32
        %parallel_loop3A_647 = arith.constant 64 : i32
        %parallel_loop3A_648 = arith.constant 1 : i32
        scf.for %parallel_loop3A_649 = %parallel_loop3A_646 to %parallel_loop3A_647 step %parallel_loop3A_648  : i32 {
          %parallel_loop3A_650 = arith.constant 16 : i32
          %parallel_loop3A_651 = arith.muli %parallel_loop3A_649, %parallel_loop3A_650 : i32
          %parallel_loop3A_652 = arith.constant 0 : i32
          %parallel_loop3A_653 = arith.index_cast %parallel_loop3A_652 : i32 to index
          %parallel_loop3A_654 = arith.index_cast %parallel_loop3A_651 : i32 to index
          %parallel_loop3A_655 = tpu.vector_load %arg10[%parallel_loop3A_653, %parallel_loop3A_654] {strides = array<i32>} : memref<2x1024xf32, #tpu.memory_space<vmem>>, vector<1x16xf32>,
          %parallel_loop3A_656 = vector.shape_cast %parallel_loop3A_655 : vector<1x16xf32> to vector<16xf32>
          %parallel_loop3A_657 = arith.constant 1 : i32
          %parallel_loop3A_658 = arith.index_cast %parallel_loop3A_657 : i32 to index
          %parallel_loop3A_659 = arith.index_cast %parallel_loop3A_651 : i32 to index
          %parallel_loop3A_660 = tpu.vector_load %arg10[%parallel_loop3A_658, %parallel_loop3A_659] {strides = array<i32>} : memref<2x1024xf32, #tpu.memory_space<vmem>>, vector<1x16xf32>,
          %parallel_loop3A_661 = vector.shape_cast %parallel_loop3A_660 : vector<1x16xf32> to vector<16xf32>
          %parallel_loop3A_662 = arith.constant 1 : i32
          %parallel_loop3A_663 = arith.index_cast %parallel_loop3A_662 : i32 to index
          %parallel_loop3A_664 = arith.index_cast %parallel_loop3A_597 : i32 to index
          %parallel_loop3A_665 = arith.index_cast %parallel_loop3A_651 : i32 to index
          %parallel_loop3A_666 = tpu.vector_load %arg11[%parallel_loop3A_663, %parallel_loop3A_664, %parallel_loop3A_665] {strides = array<i32>} : memref<2x8x1024xf32, #tpu.memory_space<vmem>>, vector<1x1x16xf32>,
          %parallel_loop3A_667 = vector.shape_cast %parallel_loop3A_666 : vector<1x1x16xf32> to vector<16xf32>
          %parallel_loop3A_668 = arith.addf %parallel_loop3A_667, %parallel_loop3A_656 : vector<16xf32>
          %parallel_loop3A_669 = arith.subf %parallel_loop3A_661, %parallel_loop3A_656 : vector<16xf32>
          %parallel_loop3A_670 = arith.constant 0 : i32
          %parallel_loop3A_671 = arith.addi %parallel_loop3A_670, %parallel_loop3A_597 : i32
          %parallel_loop3A_672 = arith.constant 1 : i32
          %parallel_loop3A_673 = arith.index_cast %parallel_loop3A_672 : i32 to index
          %parallel_loop3A_674 = arith.index_cast %parallel_loop3A_671 : i32 to index
          %parallel_loop3A_675 = arith.index_cast %parallel_loop3A_651 : i32 to index
          %parallel_loop3A_676 = tpu.vector_load %arg12[%parallel_loop3A_673, %parallel_loop3A_674, %parallel_loop3A_675] {strides = array<i32>} : memref<2x32x1024xf32, #tpu.memory_space<vmem>>, vector<1x1x16xf32>,
          %parallel_loop3A_677 = vector.shape_cast %parallel_loop3A_676 : vector<1x1x16xf32> to vector<16xf32>
          %parallel_loop3A_678 = arith.addf %parallel_loop3A_677, %parallel_loop3A_668 : vector<16xf32>
          %parallel_loop3A_679 = arith.mulf %parallel_loop3A_609, %parallel_loop3A_669 : vector<16xf32>
          %parallel_loop3A_680 = arith.addf %parallel_loop3A_678, %parallel_loop3A_679 : vector<16xf32>
          %parallel_loop3A_681 = arith.constant 1 : i32
          %parallel_loop3A_682 = arith.index_cast %parallel_loop3A_681 : i32 to index
          %parallel_loop3A_683 = arith.index_cast %parallel_loop3A_671 : i32 to index
          %parallel_loop3A_684 = arith.index_cast %parallel_loop3A_651 : i32 to index
          %parallel_loop3A_685 = tpu.vector_load %arg12[%parallel_loop3A_682, %parallel_loop3A_683, %parallel_loop3A_684] {strides = array<i32>} : memref<2x32x1024xf32, #tpu.memory_space<vmem>>, vector<1x1x16xf32>,
          %parallel_loop3A_686 = vector.shape_cast %parallel_loop3A_685 : vector<1x1x16xf32> to vector<16xf32>
          %parallel_loop3A_687 = vector.shape_cast %parallel_loop3A_680 : vector<16xf32> to vector<1x1x16xf32>
          tpu.vector_store %arg12[%parallel_loop3A_682, %parallel_loop3A_683, %parallel_loop3A_684], %parallel_loop3A_687 {strides = array<i32>} : memref<2x32x1024xf32, #tpu.memory_space<vmem>>, vector<1x1x16xf32>,
          %parallel_loop3A_688 = arith.constant 8 : i32
          %parallel_loop3A_689 = arith.addi %parallel_loop3A_688, %parallel_loop3A_597 : i32
          %parallel_loop3A_690 = arith.constant 1 : i32
          %parallel_loop3A_691 = arith.index_cast %parallel_loop3A_690 : i32 to index
          %parallel_loop3A_692 = arith.index_cast %parallel_loop3A_689 : i32 to index
          %parallel_loop3A_693 = arith.index_cast %parallel_loop3A_651 : i32 to index
          %parallel_loop3A_694 = tpu.vector_load %arg12[%parallel_loop3A_691, %parallel_loop3A_692, %parallel_loop3A_693] {strides = array<i32>} : memref<2x32x1024xf32, #tpu.memory_space<vmem>>, vector<1x1x16xf32>,
          %parallel_loop3A_695 = vector.shape_cast %parallel_loop3A_694 : vector<1x1x16xf32> to vector<16xf32>
          %parallel_loop3A_696 = arith.addf %parallel_loop3A_695, %parallel_loop3A_668 : vector<16xf32>
          %parallel_loop3A_697 = arith.mulf %parallel_loop3A_621, %parallel_loop3A_669 : vector<16xf32>
          %parallel_loop3A_698 = arith.addf %parallel_loop3A_696, %parallel_loop3A_697 : vector<16xf32>
          %parallel_loop3A_699 = arith.constant 1 : i32
          %parallel_loop3A_700 = arith.index_cast %parallel_loop3A_699 : i32 to index
          %parallel_loop3A_701 = arith.index_cast %parallel_loop3A_689 : i32 to index
          %parallel_loop3A_702 = arith.index_cast %parallel_loop3A_651 : i32 to index
          %parallel_loop3A_703 = tpu.vector_load %arg12[%parallel_loop3A_700, %parallel_loop3A_701, %parallel_loop3A_702] {strides = array<i32>} : memref<2x32x1024xf32, #tpu.memory_space<vmem>>, vector<1x1x16xf32>,
          %parallel_loop3A_704 = vector.shape_cast %parallel_loop3A_703 : vector<1x1x16xf32> to vector<16xf32>
          %parallel_loop3A_705 = vector.shape_cast %parallel_loop3A_698 : vector<16xf32> to vector<1x1x16xf32>
          tpu.vector_store %arg12[%parallel_loop3A_700, %parallel_loop3A_701, %parallel_loop3A_702], %parallel_loop3A_705 {strides = array<i32>} : memref<2x32x1024xf32, #tpu.memory_space<vmem>>, vector<1x1x16xf32>,
          %parallel_loop3A_706 = arith.constant 16 : i32
          %parallel_loop3A_707 = arith.addi %parallel_loop3A_706, %parallel_loop3A_597 : i32
          %parallel_loop3A_708 = arith.constant 1 : i32
          %parallel_loop3A_709 = arith.index_cast %parallel_loop3A_708 : i32 to index
          %parallel_loop3A_710 = arith.index_cast %parallel_loop3A_707 : i32 to index
          %parallel_loop3A_711 = arith.index_cast %parallel_loop3A_651 : i32 to index
          %parallel_loop3A_712 = tpu.vector_load %arg12[%parallel_loop3A_709, %parallel_loop3A_710, %parallel_loop3A_711] {strides = array<i32>} : memref<2x32x1024xf32, #tpu.memory_space<vmem>>, vector<1x1x16xf32>,
          %parallel_loop3A_713 = vector.shape_cast %parallel_loop3A_712 : vector<1x1x16xf32> to vector<16xf32>
          %parallel_loop3A_714 = arith.addf %parallel_loop3A_713, %parallel_loop3A_668 : vector<16xf32>
          %parallel_loop3A_715 = arith.mulf %parallel_loop3A_633, %parallel_loop3A_669 : vector<16xf32>
          %parallel_loop3A_716 = arith.addf %parallel_loop3A_714, %parallel_loop3A_715 : vector<16xf32>
          %parallel_loop3A_717 = arith.constant 1 : i32
          %parallel_loop3A_718 = arith.index_cast %parallel_loop3A_717 : i32 to index
          %parallel_loop3A_719 = arith.index_cast %parallel_loop3A_707 : i32 to index
          %parallel_loop3A_720 = arith.index_cast %parallel_loop3A_651 : i32 to index
          %parallel_loop3A_721 = tpu.vector_load %arg12[%parallel_loop3A_718, %parallel_loop3A_719, %parallel_loop3A_720] {strides = array<i32>} : memref<2x32x1024xf32, #tpu.memory_space<vmem>>, vector<1x1x16xf32>,
          %parallel_loop3A_722 = vector.shape_cast %parallel_loop3A_721 : vector<1x1x16xf32> to vector<16xf32>
          %parallel_loop3A_723 = vector.shape_cast %parallel_loop3A_716 : vector<16xf32> to vector<1x1x16xf32>
          tpu.vector_store %arg12[%parallel_loop3A_718, %parallel_loop3A_719, %parallel_loop3A_720], %parallel_loop3A_723 {strides = array<i32>} : memref<2x32x1024xf32, #tpu.memory_space<vmem>>, vector<1x1x16xf32>,
          %parallel_loop3A_724 = arith.constant 24 : i32
          %parallel_loop3A_725 = arith.addi %parallel_loop3A_724, %parallel_loop3A_597 : i32
          %parallel_loop3A_726 = arith.constant 1 : i32
          %parallel_loop3A_727 = arith.index_cast %parallel_loop3A_726 : i32 to index
          %parallel_loop3A_728 = arith.index_cast %parallel_loop3A_725 : i32 to index
          %parallel_loop3A_729 = arith.index_cast %parallel_loop3A_651 : i32 to index
          %parallel_loop3A_730 = tpu.vector_load %arg12[%parallel_loop3A_727, %parallel_loop3A_728, %parallel_loop3A_729] {strides = array<i32>} : memref<2x32x1024xf32, #tpu.memory_space<vmem>>, vector<1x1x16xf32>,
          %parallel_loop3A_731 = vector.shape_cast %parallel_loop3A_730 : vector<1x1x16xf32> to vector<16xf32>
          %parallel_loop3A_732 = arith.addf %parallel_loop3A_731, %parallel_loop3A_668 : vector<16xf32>
          %parallel_loop3A_733 = arith.mulf %parallel_loop3A_645, %parallel_loop3A_669 : vector<16xf32>
          %parallel_loop3A_734 = arith.addf %parallel_loop3A_732, %parallel_loop3A_733 : vector<16xf32>
          %parallel_loop3A_735 = arith.constant 1 : i32
          %parallel_loop3A_736 = arith.index_cast %parallel_loop3A_735 : i32 to index
          %parallel_loop3A_737 = arith.index_cast %parallel_loop3A_725 : i32 to index
          %parallel_loop3A_738 = arith.index_cast %parallel_loop3A_651 : i32 to index
          %parallel_loop3A_739 = tpu.vector_load %arg12[%parallel_loop3A_736, %parallel_loop3A_737, %parallel_loop3A_738] {strides = array<i32>} : memref<2x32x1024xf32, #tpu.memory_space<vmem>>, vector<1x1x16xf32>,
          %parallel_loop3A_740 = vector.shape_cast %parallel_loop3A_739 : vector<1x1x16xf32> to vector<16xf32>
          %parallel_loop3A_741 = vector.shape_cast %parallel_loop3A_734 : vector<16xf32> to vector<1x1x16xf32>
          tpu.vector_store %arg12[%parallel_loop3A_736, %parallel_loop3A_737, %parallel_loop3A_738], %parallel_loop3A_741 {strides = array<i32>} : memref<2x32x1024xf32, #tpu.memory_space<vmem>>, vector<1x1x16xf32>,
        } {sc.loop_unroll_factor = 8 : i64, sc.parallel_access}
      } {sc.loop_unroll_factor = 1 : i64, sc.parallel_access}
      %mul3A_521 = arith.constant 8 : i32
      %mul3A_522 = arith.muli %add3A_285, %mul3A_521 : i32
      %add3A_523 = arith.addi %mul3A_2, %mul3A_522 : i32
      %dma_start3A_524 = arith.constant 1 : i32
      %dma_start3A_525 = arith.constant 0 : i32
      %dma_start3A_526 = arith.constant 0 : i32
      %dma_start3A_527 = arith.constant 0 : i32
      %dma_start3A_528 = tpu.memref_slice %arg12[%dma_start3A_524, %dma_start3A_526, %dma_start3A_527] : memref<2x32x1024xf32, #tpu.memory_space<vmem>> -> memref<1x8x1024xf32, #tpu.memory_space<vmem>>
      %dma_start3A_529 = tpu.memref_squeeze %dma_start3A_528 : memref<1x8x1024xf32, #tpu.memory_space<vmem>> -> memref<8x1024xf32, #tpu.memory_space<vmem>>
      %dma_start3A_530 = arith.constant 0 : i32
      %dma_start3A_531 = tpu.memref_slice %arg7[%dma_start3A_525, %add3A_523, %dma_start3A_530] : memref<4x2048x1024xf32, #tpu.memory_space<hbm>> -> memref<1x8x1024xf32, #tpu.memory_space<hbm>>
      %dma_start3A_532 = tpu.memref_squeeze %dma_start3A_531 : memref<1x8x1024xf32, #tpu.memory_space<hbm>> -> memref<8x1024xf32, #tpu.memory_space<hbm>>
      %dma_start3A_533 = arith.constant 0 : i32
      %dma_start3A_534 = tpu.memref_slice %arg7[%dma_start3A_525, %add3A_523, %dma_start3A_533] : memref<4x2048x1024xf32, #tpu.memory_space<hbm>> -> memref<1x8x1024xf32, #tpu.memory_space<hbm>>
      %dma_start3A_535 = tpu.memref_squeeze %dma_start3A_534 : memref<1x8x1024xf32, #tpu.memory_space<hbm>> -> memref<8x1024xf32, #tpu.memory_space<hbm>>
      %dma_start3A_536 = arith.constant 0 : i32
      %dma_start3A_537 = arith.constant 0 : i32
      %dma_start3A_538 = tpu.memref_slice %arg12[%dma_start3A_524, %dma_start3A_536, %dma_start3A_537] : memref<2x32x1024xf32, #tpu.memory_space<vmem>> -> memref<1x8x1024xf32, #tpu.memory_space<vmem>>
      %dma_start3A_539 = tpu.memref_squeeze %dma_start3A_538 : memref<1x8x1024xf32, #tpu.memory_space<vmem>> -> memref<8x1024xf32, #tpu.memory_space<vmem>>
      tpu.enqueue_dma source(%dma_start3A_539 : memref<8x1024xf32, #tpu.memory_space<vmem>>) target(%dma_start3A_535 : memref<8x1024xf32, #tpu.memory_space<hbm>>) target_semaphore(%arg17 : memref<!tpu.dma_semaphore, #tpu.memory_space<semaphore_mem>>)
      %mul3A_540 = arith.constant 8 : i32
      %mul3A_541 = arith.muli %add3A_285, %mul3A_540 : i32
      %add3A_542 = arith.addi %mul3A_2, %mul3A_541 : i32
      %dma_start3A_543 = arith.constant 1 : i32
      %dma_start3A_544 = arith.constant 1 : i32
      %dma_start3A_545 = arith.constant 8 : i32
      %dma_start3A_546 = arith.constant 0 : i32
      %dma_start3A_547 = tpu.memref_slice %arg12[%dma_start3A_543, %dma_start3A_545, %dma_start3A_546] : memref<2x32x1024xf32, #tpu.memory_space<vmem>> -> memref<1x8x1024xf32, #tpu.memory_space<vmem>>
      %dma_start3A_548 = tpu.memref_squeeze %dma_start3A_547 : memref<1x8x1024xf32, #tpu.memory_space<vmem>> -> memref<8x1024xf32, #tpu.memory_space<vmem>>
      %dma_start3A_549 = arith.constant 0 : i32
      %dma_start3A_550 = tpu.memref_slice %arg7[%dma_start3A_544, %add3A_542, %dma_start3A_549] : memref<4x2048x1024xf32, #tpu.memory_space<hbm>> -> memref<1x8x1024xf32, #tpu.memory_space<hbm>>
      %dma_start3A_551 = tpu.memref_squeeze %dma_start3A_550 : memref<1x8x1024xf32, #tpu.memory_space<hbm>> -> memref<8x1024xf32, #tpu.memory_space<hbm>>
      %dma_start3A_552 = arith.constant 0 : i32
      %dma_start3A_553 = tpu.memref_slice %arg7[%dma_start3A_544, %add3A_542, %dma_start3A_552] : memref<4x2048x1024xf32, #tpu.memory_space<hbm>> -> memref<1x8x1024xf32, #tpu.memory_space<hbm>>
      %dma_start3A_554 = tpu.memref_squeeze %dma_start3A_553 : memref<1x8x1024xf32, #tpu.memory_space<hbm>> -> memref<8x1024xf32, #tpu.memory_space<hbm>>
      %dma_start3A_555 = arith.constant 8 : i32
      %dma_start3A_556 = arith.constant 0 : i32
      %dma_start3A_557 = tpu.memref_slice %arg12[%dma_start3A_543, %dma_start3A_555, %dma_start3A_556] : memref<2x32x1024xf32, #tpu.memory_space<vmem>> -> memref<1x8x1024xf32, #tpu.memory_space<vmem>>
      %dma_start3A_558 = tpu.memref_squeeze %dma_start3A_557 : memref<1x8x1024xf32, #tpu.memory_space<vmem>> -> memref<8x1024xf32, #tpu.memory_space<vmem>>
      tpu.enqueue_dma source(%dma_start3A_558 : memref<8x1024xf32, #tpu.memory_space<vmem>>) target(%dma_start3A_554 : memref<8x1024xf32, #tpu.memory_space<hbm>>) target_semaphore(%arg17 : memref<!tpu.dma_semaphore, #tpu.memory_space<semaphore_mem>>)
      %mul3A_559 = arith.constant 8 : i32
      %mul3A_560 = arith.muli %add3A_285, %mul3A_559 : i32
      %add3A_561 = arith.addi %mul3A_2, %mul3A_560 : i32
      %dma_start3A_562 = arith.constant 1 : i32
      %dma_start3A_563 = arith.constant 2 : i32
      %dma_start3A_564 = arith.constant 16 : i32
      %dma_start3A_565 = arith.constant 0 : i32
      %dma_start3A_566 = tpu.memref_slice %arg12[%dma_start3A_562, %dma_start3A_564, %dma_start3A_565] : memref<2x32x1024xf32, #tpu.memory_space<vmem>> -> memref<1x8x1024xf32, #tpu.memory_space<vmem>>
      %dma_start3A_567 = tpu.memref_squeeze %dma_start3A_566 : memref<1x8x1024xf32, #tpu.memory_space<vmem>> -> memref<8x1024xf32, #tpu.memory_space<vmem>>
      %dma_start3A_568 = arith.constant 0 : i32
      %dma_start3A_569 = tpu.memref_slice %arg7[%dma_start3A_563, %add3A_561, %dma_start3A_568] : memref<4x2048x1024xf32, #tpu.memory_space<hbm>> -> memref<1x8x1024xf32, #tpu.memory_space<hbm>>
      %dma_start3A_570 = tpu.memref_squeeze %dma_start3A_569 : memref<1x8x1024xf32, #tpu.memory_space<hbm>> -> memref<8x1024xf32, #tpu.memory_space<hbm>>
      %dma_start3A_571 = arith.constant 0 : i32
      %dma_start3A_572 = tpu.memref_slice %arg7[%dma_start3A_563, %add3A_561, %dma_start3A_571] : memref<4x2048x1024xf32, #tpu.memory_space<hbm>> -> memref<1x8x1024xf32, #tpu.memory_space<hbm>>
      %dma_start3A_573 = tpu.memref_squeeze %dma_start3A_572 : memref<1x8x1024xf32, #tpu.memory_space<hbm>> -> memref<8x1024xf32, #tpu.memory_space<hbm>>
      %dma_start3A_574 = arith.constant 16 : i32
      %dma_start3A_575 = arith.constant 0 : i32
      %dma_start3A_576 = tpu.memref_slice %arg12[%dma_start3A_562, %dma_start3A_574, %dma_start3A_575] : memref<2x32x1024xf32, #tpu.memory_space<vmem>> -> memref<1x8x1024xf32, #tpu.memory_space<vmem>>
      %dma_start3A_577 = tpu.memref_squeeze %dma_start3A_576 : memref<1x8x1024xf32, #tpu.memory_space<vmem>> -> memref<8x1024xf32, #tpu.memory_space<vmem>>
      tpu.enqueue_dma source(%dma_start3A_577 : memref<8x1024xf32, #tpu.memory_space<vmem>>) target(%dma_start3A_573 : memref<8x1024xf32, #tpu.memory_space<hbm>>) target_semaphore(%arg17 : memref<!tpu.dma_semaphore, #tpu.memory_space<semaphore_mem>>)
      %mul3A_578 = arith.constant 8 : i32
      %mul3A_579 = arith.muli %add3A_285, %mul3A_578 : i32
      %add3A_580 = arith.addi %mul3A_2, %mul3A_579 : i32
      %dma_start3A_581 = arith.constant 1 : i32
      %dma_start3A_582 = arith.constant 3 : i32
      %dma_start3A_583 = arith.constant 24 : i32
      %dma_start3A_584 = arith.constant 0 : i32
      %dma_start3A_585 = tpu.memref_slice %arg12[%dma_start3A_581, %dma_start3A_583, %dma_start3A_584] : memref<2x32x1024xf32, #tpu.memory_space<vmem>> -> memref<1x8x1024xf32, #tpu.memory_space<vmem>>
      %dma_start3A_586 = tpu.memref_squeeze %dma_start3A_585 : memref<1x8x1024xf32, #tpu.memory_space<vmem>> -> memref<8x1024xf32, #tpu.memory_space<vmem>>
      %dma_start3A_587 = arith.constant 0 : i32
      %dma_start3A_588 = tpu.memref_slice %arg7[%dma_start3A_582, %add3A_580, %dma_start3A_587] : memref<4x2048x1024xf32, #tpu.memory_space<hbm>> -> memref<1x8x1024xf32, #tpu.memory_space<hbm>>
      %dma_start3A_589 = tpu.memref_squeeze %dma_start3A_588 : memref<1x8x1024xf32, #tpu.memory_space<hbm>> -> memref<8x1024xf32, #tpu.memory_space<hbm>>
      %dma_start3A_590 = arith.constant 0 : i32
      %dma_start3A_591 = tpu.memref_slice %arg7[%dma_start3A_582, %add3A_580, %dma_start3A_590] : memref<4x2048x1024xf32, #tpu.memory_space<hbm>> -> memref<1x8x1024xf32, #tpu.memory_space<hbm>>
      %dma_start3A_592 = tpu.memref_squeeze %dma_start3A_591 : memref<1x8x1024xf32, #tpu.memory_space<hbm>> -> memref<8x1024xf32, #tpu.memory_space<hbm>>
      %dma_start3A_593 = arith.constant 24 : i32
      %dma_start3A_594 = arith.constant 0 : i32
      %dma_start3A_595 = tpu.memref_slice %arg12[%dma_start3A_581, %dma_start3A_593, %dma_start3A_594] : memref<2x32x1024xf32, #tpu.memory_space<vmem>> -> memref<1x8x1024xf32, #tpu.memory_space<vmem>>
      %dma_start3A_596 = tpu.memref_squeeze %dma_start3A_595 : memref<1x8x1024xf32, #tpu.memory_space<vmem>> -> memref<8x1024xf32, #tpu.memory_space<vmem>>
      tpu.enqueue_dma source(%dma_start3A_596 : memref<8x1024xf32, #tpu.memory_space<vmem>>) target(%dma_start3A_592 : memref<8x1024xf32, #tpu.memory_space<hbm>>) target_semaphore(%arg17 : memref<!tpu.dma_semaphore, #tpu.memory_space<semaphore_mem>>)
    }
    %scan3A_260 = arith.constant 4 : i32
    %dma_wait3A_261 = arith.constant 1 : i32
    %dma_wait3A_262 = arith.constant 0 : i32
    %dma_wait3A_263 = arith.constant 0 : i32
    %dma_wait3A_264 = arith.constant 0 : i32
    %dma_wait3A_265 = tpu.memref_slice %arg12[%dma_wait3A_261, %dma_wait3A_263, %dma_wait3A_264] : memref<2x32x1024xf32, #tpu.memory_space<vmem>> -> memref<1x32x1024xf32, #tpu.memory_space<vmem>>
    %dma_wait3A_266 = tpu.memref_squeeze %dma_wait3A_265 : memref<1x32x1024xf32, #tpu.memory_space<vmem>> -> memref<32x1024xf32, #tpu.memory_space<vmem>>
    %dma_wait3A_267 = arith.constant 0 : i32
    %dma_wait3A_268 = arith.constant 0 : i32
    %dma_wait3A_269 = tpu.memref_slice %arg7[%dma_wait3A_262, %dma_wait3A_267, %dma_wait3A_268] : memref<4x2048x1024xf32, #tpu.memory_space<hbm>> -> memref<1x32x1024xf32, #tpu.memory_space<hbm>>
    %dma_wait3A_270 = tpu.memref_squeeze %dma_wait3A_269 : memref<1x32x1024xf32, #tpu.memory_space<hbm>> -> memref<32x1024xf32, #tpu.memory_space<hbm>>
    %dma_wait3A_271 = arith.constant 0 : i32
    %dma_wait3A_272 = arith.constant 0 : i32
    %dma_wait3A_273 = tpu.memref_slice %arg7[%dma_wait3A_262, %dma_wait3A_271, %dma_wait3A_272] : memref<4x2048x1024xf32, #tpu.memory_space<hbm>> -> memref<1x32x1024xf32, #tpu.memory_space<hbm>>
    %dma_wait3A_274 = tpu.memref_squeeze %dma_wait3A_273 : memref<1x32x1024xf32, #tpu.memory_space<hbm>> -> memref<32x1024xf32, #tpu.memory_space<hbm>>
    %dma_wait3A_275 = arith.constant 0 : i32
    %dma_wait3A_276 = arith.constant 0 : i32
    %dma_wait3A_277 = tpu.memref_slice %arg12[%dma_wait3A_261, %dma_wait3A_275, %dma_wait3A_276] : memref<2x32x1024xf32, #tpu.memory_space<vmem>> -> memref<1x32x1024xf32, #tpu.memory_space<vmem>>
    %dma_wait3A_278 = tpu.memref_squeeze %dma_wait3A_277 : memref<1x32x1024xf32, #tpu.memory_space<vmem>> -> memref<32x1024xf32, #tpu.memory_space<vmem>>
    tpu.wait_dma2 semaphore(%arg17 : memref<!tpu.dma_semaphore, #tpu.memory_space<semaphore_mem>>) src(%dma_wait3A_278 : memref<32x1024xf32, #tpu.memory_space<vmem>>) dst(%dma_wait3A_274 : memref<32x1024xf32, #tpu.memory_space<hbm>>)
    return
  }
}

</mosaic_0001>

<sc_bundles>
// kernel: kernel.3.cloned.1.call-start
scs
__scs_entry_jumppad:
0x0: {  	(pc) =	sbr.rel $0x88, $3  }
0x1: {  	(tag) =	ssettag $0x0;
	lr =	simm.s32 $0x1  }
0x2: {  	[smem:$0x3F9C] =	sst lr;
	_ =	strace $0xD0000000  }
0x3: {  	_ = 	snop  }
0x4: {  	_ = 	snop  }
0x5: {  	_ = 	snop  }
0x6: {  	_ = 	snop  }
0x7: {  	_ = 	snop  }
__scs_overlays_trampoline_lowered:
0x8: {  	[smem:$0x3FAB] =	sst s0  }
0x9: {  	[smem:$0x3FAC] =	sst s1  }
0xa: {  	[smem:$0x3FAD] =	sst s2  }
0xb: {  	[smem:$0x3FAE] =	sst s3  }
0xc: {  	[smem:$0x3FAF] =	sst s4  }
0xd: {  	[smem:$0x3FB0] =	sst s5  }
0xe: {  	[smem:$0x3FB1] =	sst s6  }
0xf: {  	[smem:$0x3FB2] =	sst s7  }
0x10: {  	[smem:$0x3FB3] =	sst s8  }
0x11: {  	[smem:$0x3FB4] =	sst s9;
	s0 =	simm.s32 @!p0 $0x0  }
0x12: {  	s1 =	sld [smem:$0x3F9A];
	s0 =	simm.s32 @p0 $0x1  }
0x13: {  	[smem:$0x3FB5] =	sst s0;
	s0 =	simm.s32 @!p1 $0x0  }
0x14: {  	s2 =	sld [smem:$0x3F99];
	s0 =	simm.s32 @p1 $0x1  }
0x15: {  	[smem:$0x3FB6] =	sst s0;
	s0 =	simm.s32 @!p2 $0x0  }
0x16: {  	s3 =	sld [smem:$0x3FDB];
	s0 =	simm.s32 @p2 $0x1  }
0x17: {  	s4 =	simm.s32 $0x1BF5;
	[smem:$0x3FB8] =	sst s0  }
0x18: {  	s0 =	sld [smem:$0x3F9B];
	_ =	swait.ge [sflag:s4], $0x0  }
0x19: {  	s7 =	sld [smem:$0x3F9C]  }
0x1a: {  	s8 =	sadd.s32 $0xFFFFE003, lr  }
0x1b: {  	s9 =	sadd.s32 $0xFFFFFEF7, lr;
	s5 =	simm.s32 $0xFFFFFFFF;
	p2 =	slt.u32 s8, $0xFFFFF086  }
0x1c: {  	p1 =	slt.u32 s9, $0xF7A;
	s5 =	simm.s32 @!p2 $0x0  }
0x1d: {  	s5 =	simm.s32 @p1 $0x1;
	p0 =	seq.s32 s7, s2  }
0x1e: {  	s7 =	smul.u32 @!p0 $0xF7A, s2;
	p2 =	seq.s32 @!p0 s5, $0x0  }
0x1f: {  	s9 =	smul.u32 $0xF7A, s1;
	s8 =	simm.s32 @!p0 $0x1BF5;
	p2 =	por !p2, p0  }
0x20: {  	[sflag:s8] =	ssyncset.s32 @!p0 $0xFFFFF086;
	s6 =	sadd.s32 @!p0 s3, s7;
	s7 =	simm.s32 @!p0 $0x108  }
0x21: {  	s3 =	sadd.s32 s3, s9;
	s6 =	sadd.s32 @!p0 $0x88, s6;
	s7 =	simm.s32 @p2 $0x1082  }
0x22: {  	[simem:s7], [sflag:s8] =	dma.local @!p0 [hbm:s6], $0xF7A  }
0x23: {  	s9 =	sor.u32 $0xD0000000, s2;
	s6 =	simm.s32 $0x108;
	_ =	swait.ge @!p0 [sflag:s8], $0x0  }
0x24: {  	s3 =	sadd.s32 $0x88, s3;
	s6 =	simm.s32 @!p1 $0x1082;
	[sflag:s4] =	ssyncset.s32 $0xFFFFF086  }
0x25: {  	[simem:s6], [sflag:s4] =	dma.local [hbm:s3], $0xF7A  }
0x26: {  	[smem:$0x3F9C] =	sst s1;
	(tag) =	ssettag s2;
	_ =	strace s9  }
0x27: {  	s1 =	sld [smem:$0x3FAC]  }
0x28: {  	s2 =	sld [smem:$0x3FAD]  }
0x29: {  	s4 =	sld [smem:$0x3FAF]  }
0x2a: {  	p0 =	seq.s32 s5, $0x0;
	s5 =	sld [smem:$0x3FB0]  }
0x2b: {  	s6 =	sld [smem:$0x3FB1]  }
0x2c: {  	s7 =	sld [smem:$0x3FB2]  }
0x2d: {  	s3 =	simm.s32 $0x108;
	s8 =	sld [smem:$0x3FB3]  }
0x2e: {  	s3 =	simm.s32 @!p0 $0x1082;
	s9 =	sld [smem:$0x3FB4]  }
0x2f: {  	lr =	sadd.s32 s0, s3;
	s0 =	sld [smem:$0x3FAB]  }
0x30: {  	s3 =	sld [smem:$0x3FAE]  }
0x31: {  	[smem:$0x3FB7] =	sst s10  }
0x32: {  	s10 =	sld [smem:$0x3FB5];
	_ =	sdelay $0x3  }
0x33: {  	p0 =	seq.s32 s10, $0x1;
	s10 =	sld [smem:$0x3FB7];
	_ =	sdelay $0x3  }
0x34: {  	[smem:$0x3FB7] =	sst s10  }
0x35: {  	s10 =	sld [smem:$0x3FB6];
	_ =	sdelay $0x3  }
0x36: {  	p1 =	seq.s32 s10, $0x1;
	s10 =	sld [smem:$0x3FB7];
	_ =	sdelay $0x3  }
0x37: {  	[smem:$0x3FB7] =	sst s10  }
0x38: {  	s10 =	sld [smem:$0x3FB8]  }
0x39: {  	_ = 	snop;
	(pc) =	sbr.ind lr, $3  }
0x3a: {  	_ = 	snop  }
0x3b: {  	_ = 	snop  }
0x3c: {  	p2 =	seq.s32 s10, $0x1;
	s10 =	sld [smem:$0x3FB7]  }
0x3d: {  	_ =	shalt  }
0x3e: {  	_ =	shalt  }
0x3f: {  	_ =	shalt  }
0x40: {  	_ =	shalt  }
0x41: {  	_ =	shalt  }
0x42: {  	_ =	shalt  }
0x43: {  	_ =	shalt  }
0x44: {  	_ =	shalt  }
0x45: {  	_ =	shalt  }
0x46: {  	_ =	shalt  }
0x47: {  	_ =	shalt  }
0x48: {  	_ =	shalt  }
0x49: {  	_ =	shalt  }
0x4a: {  	_ =	shalt  }
0x4b: {  	_ =	shalt  }
0x4c: {  	_ =	shalt  }
0x4d: {  	_ =	shalt  }
0x4e: {  	_ =	shalt  }
0x4f: {  	_ =	shalt  }
0x50: {  	_ =	shalt  }
0x51: {  	_ =	shalt  }
0x52: {  	_ =	shalt  }
0x53: {  	_ =	shalt  }
0x54: {  	_ =	shalt  }
0x55: {  	_ =	shalt  }
0x56: {  	_ =	shalt  }
0x57: {  	_ =	shalt  }
0x58: {  	_ =	shalt  }
0x59: {  	_ =	shalt  }
0x5a: {  	_ =	shalt  }
0x5b: {  	_ =	shalt  }
0x5c: {  	_ =	shalt  }
0x5d: {  	_ =	shalt  }
0x5e: {  	_ =	shalt  }
0x5f: {  	_ =	shalt  }
0x60: {  	_ =	shalt  }
0x61: {  	_ =	shalt  }
0x62: {  	_ =	shalt  }
0x63: {  	_ =	shalt  }
0x64: {  	_ =	shalt  }
0x65: {  	_ =	shalt  }
0x66: {  	_ =	shalt  }
0x67: {  	_ =	shalt  }
0x68: {  	_ =	shalt  }
0x69: {  	_ =	shalt  }
0x6a: {  	_ =	shalt  }
0x6b: {  	_ =	shalt  }
0x6c: {  	_ =	shalt  }
0x6d: {  	_ =	shalt  }
0x6e: {  	_ =	shalt  }
0x6f: {  	_ =	shalt  }
0x70: {  	_ =	shalt  }
0x71: {  	_ =	shalt  }
0x72: {  	_ =	shalt  }
0x73: {  	_ =	shalt  }
0x74: {  	_ =	shalt  }
0x75: {  	_ =	shalt  }
0x76: {  	_ =	shalt  }
0x77: {  	_ =	shalt  }
0x78: {  	_ =	shalt  }
0x79: {  	_ =	shalt  }
0x7a: {  	_ =	shalt  }
0x7b: {  	_ =	shalt  }
0x7c: {  	_ =	shalt  }
0x7d: {  	_ =	shalt  }
0x7e: {  	_ =	shalt  }
0x7f: {  	_ =	shalt  }
0x80: {  	_ =	shalt  }
0x81: {  	_ =	shalt  }
0x82: {  	_ =	shalt  }
0x83: {  	_ =	shalt  }
0x84: {  	_ =	shalt  }
0x85: {  	_ =	shalt  }
0x86: {  	_ =	shalt  }
0x87: {  	_ =	shalt  }
.Lfunc_end0:
.L_simem_size_0:
called_computation_lowered:
.L_overlay_start_0:
0x88: {  	s2 =	sld [smem:$0x3FD9]  }
0x89: {  	s3 =	sld [smem:$0x3FFE];
	_ =	sdelay $0x1  }
0x8a: {  	s1 =	srdreg.scid  }
0x8b: {  	s0 =	sand.u32 $0x1, s1  }
0x8c: {  	s18 =	sshll.u32 s0, $0xA;
	s2 =	sadd.s32 s3, s2  }
0x8d: {  	s2 =	sadd.s32 s2, s18  }
0x8e: {  	[smem:$0x3FC3] =	sst s2  }
0x8f: {  	_ = 	snop  }
0x90: {  	s2 =	sld [smem:$0x3FC9]  }
0x91: {  	s19 =	sld [smem:$0x3FC8]  }
0x92: {  	s4 =	sld [smem:$0x3FC7]  }
0x93: {  	s5 =	sld [smem:$0x3FC6]  }
0x94: {  	s6 =	sld [smem:$0x3FC5]  }
0x95: {  	s7 =	sld [smem:$0x3FD0];
	(tm) =	ssettm $0x1  }
0x96: {  	s8 =	sld [smem:$0x3FFB];
	_ =	sdelay $0x3  }
0x97: {  	_ =	strace s8  }
0x98: {  	s8 =	sld [smem:$0x3FFC];
	_ =	sdelay $0x3  }
0x99: {  	_ =	strace s8  }
0x9a: {  	s8 =	sld [smem:$0x3FFD];
	_ =	sdelay $0x3  }
0x9b: {  	_ =	strace s8  }
0x9c: {  	_ =	strace $0x8FFFFFFF  }
0x9d: {  	s20 =	sld [smem:$0x3FDB];
	_ =	sdelay $0x1  }
0x9e: {  	s9 =	simm.s32 $_scs_section_size  }
0x9f: {  	s10 =	simm.s32 $_size__tile_overlayer_lowered;
	s11 =	simm.s32 $_tile_overlayer_lowered  }
0xa0: {  	s23 =	simm.s32 $0x1BFF;
	s22 =	sshll.u32 s11, $0x1;
	s8 =	sadd.s32 s9, s20  }
0xa1: {  	s12 =	simm.s32 $0x0;
	s21 =	sshll.u32 s10, $0x1;
	s10 =	sadd.s32 s22, s8  }
0xa2: {  	[timem:s12], [sflag:s23] =	dma.local [hbm:s10], s21  }
0xa3: {  	_ =	swait.ge [sflag:s23], s21  }
0xa4: {  	s9 =	ssub.s32 $0x0, s21;
	[sflag:s23] =	ssyncset.done $0x0  }
0xa5: {  	[sflag:s23] =	ssyncadd.s32 s9;
	_ =	sdelay $0x1  }
0xa6: {  	s24 =	simm.s32 $0x1B8B  }
0xa7: {  	_ =	swait.ge [sflag:s24], $0x1  }
0xa8: {  	[sflag:s24] =	ssyncset.done $0x0  }
0xa9: {  	s25 =	simm.s32 $0x1B8E;
	[sflag:s24] =	ssyncadd.s32 $0xFFFFFFFF  }
0xaa: {  	s26 =	simm.s32 $execute0_lowered;
	[smem:$0x3FD2] =	sst s25  }
0xab: {  	s9 =	sshll.u32 s26, $0x1;
	_ =	strace $0x80000046;
	[dreg:$0x1] =	wrdreg $0xFFFFFFFF  }
0xac: {  	s28 =	simm.s32 $_size_execute0_lowered;
	s8 =	sadd.s32 s8, s9;
	[dreg:$0x0] =	wrdreg $0x0  }
0xad: {  	s9 =	sshll.u32 s28, $0x1;
	[dreg:$0x2] =	wrdreg s8  }
0xae: {  	[dreg:$0x3] =	wrdreg s9  }
0xaf: {  	[dreg:$0x4] =	wrdreg $0xC0  }
0xb0: {  	_ =	task [dreg:s12], $0x5FFFF  }
0xb1: {  	[dreg:$0x1] =	wrdreg $0xFFFFFFFF  }
0xb2: {  	[dreg:$0x0] =	wrdreg $0x60  }
0xb3: {  	[dreg:$0x2] =	wrdreg s2  }
0xb4: {  	[dreg:$0x3] =	wrdreg s19  }
0xb5: {  	[dreg:$0x4] =	wrdreg s4  }
0xb6: {  	[dreg:$0x5] =	wrdreg s5  }
0xb7: {  	[dreg:$0x6] =	wrdreg s6  }
0xb8: {  	[dreg:$0x7] =	wrdreg s7  }
0xb9: {  	[dreg:$0x8] =	wrdreg $0x9  }
0xba: {  	_ =	task.clear_ibuf [dreg:s12], $0x9FFFF;
	_ =	strace $0x90000046  }
0xbb: {  	s29 =	simm.s32 $0x9;
	_ =	strace $0x80000048  }
0xbc: {  	_ =	swait.ge [sflag:s29], $0x1  }
0xbd: {  	[sflag:s29] =	ssyncadd.s32 $0xFFFFFFFF  }
0xbe: {  	_ =	strace $0x90000048  }
0xbf: {  	_ =	sfence  }
0xc0: {  	s30 =	sld [smem:$0x0];
	_ =	sdelay $0x2  }
0xc1: {  	s31 =	sshll.u32 s1, $0xD;
	s1 =	sshrl.u32 s1, $0x2  }
0xc2: {  	s3 =	sand.u32 $0x4000, s31;
	s1 =	sadd.s32 s1, s30  }
0xc3: {  	s0 =	sor.u32 s3, s0;
	s1 =	sshll.u32 s1, $0x11  }
0xc4: {  	s0 =	sor.u32 s1, s0  }
0xc5: {  	s0 =	sadd.s32 $0x8F2B, s0  }
0xc6: {  	[sflag:s0] =	ssyncadd.remote.s32 $0x1  }
0xc7: {  	_ =	sfence.sel $0xFFFF  }
0xc8: {  	[dreg:$0x0] =	wrdreg $0xFFFFFFFF;
	(pc) =	sbr.abs _section_cstart, $3  }
0xc9: {  	[dreg:$0x1] =	wrdreg $0xFFFFFFFF  }
0xca: {  	_ =	task.clear_ibuf [dreg:s12], $0x2FFFF;
	_ =	strace $0x9FFFFFFF  }
0xcb: {  	(tm) =	ssettm $0x7FFFFFFF  }
tec
execute0_lowered:
.L_overlay_start_1:
0x0: {  	(tag) =	ssettag $0x1  }
0x1: {  	s0 =	rddreg [dreg:$0x0]  }
0x2: {  	s2 =	rddreg [dreg:$0x1]  }
0x3: {  	s1 =	rddreg [dreg:$0x2]  }
0x4: {  	s3 =	srdreg.scid;
	s5 =	rddreg [dreg:$0x4]  }
0x5: {  	s4 =	stileid.u32;
	s17 =	rddreg [dreg:$0x5]  }
0x6: {  	s7 =	simm.s32 $0x0;
	s31 =	simm.s32 $0xEC00;
	s15 =	simm.s32 $0x12C00  }
0x7: {  	s29 =	simm.s32 $0x2;
	s11 =	simm.s32 $0x7;
	s3 =	sand.u32 $0x1, s3  }
0x8: {  	s4 =	sshll.u32 s4, $0x7;
	[smem:$0x7FF] =	sst s7;
	s8 =	sshll.u32 s3, $0x6  }
0x9: {  	s16 =	sadd.s32 $0x100, s1;
	s3 =	ssub.s32 $0x2, s3;
	s6 =	sor.u32 s8, s4  }
0xa: {  	s18 =	sadd.s32 $0x200, s1;
	s10 =	sshrl.u32 s3, $0x1;
	s4 =	sshll.u32 s6, $0x2  }
0xb: {  	_ =	strace $0x80000047;
	s3 =	ssub.s32 s3, s10;
	s9 =	sand.u32 $0x1E00, s4  }
0xc: {  	s28 =	sshll.u32 s6, $0x7;
	s4 =	sor.u32 s8, s4;
	s9 =	sor.u32 s8, s9  }
0xd: {  	[dreg:$0xf] =	wrdreg s28;
	s30 =	smax.u32 s3, $0x1;
	s9 =	sshrl.u32 s9, $0x3  }
0xe: {  	s4 =	sshrl.u32 s4, $0x3;
	[dreg:$0x11] =	wrdreg s30;
	s19 =	sadd.s32 s0, s9  }
0xf: {  	s24 =	sor.u32 $0x20, s4;
	s21 =	sadd.s32 s2, s9;
	[dreg:$0x7] =	wrdreg s19  }
0x10: {  	s10 =	simm.s32 $0x10C00;
	s25 =	sadd.s32 s0, s24;
	[dreg:$0x8] =	wrdreg s21  }
0x11: {  	s4 =	sor.u32 $0x30, s4;
	s8 =	sadd.s32 s2, s24;
	[dreg:$0xb] =	wrdreg s25  }
0x12: {  	s20 =	sor.u32 $0x10, s9;
	s26 =	sadd.s32 s2, s4;
	[dreg:$0xc] =	wrdreg s8  }
0x13: {  	s3 =	simm.s32 $0x6;
	s22 =	sadd.s32 s0, s20;
	[dreg:$0xe] =	wrdreg s26  }
0x14: {  	s24 =	simm.s32 $0xCC00;
	s23 =	sadd.s32 s2, s20;
	[dreg:$0x9] =	wrdreg s22  }
0x15: {  	s9 =	simm.s32 $0x3;
	s0 =	sadd.s32 s0, s4;
	[dreg:$0xa] =	wrdreg s23  }
0x16: {  	v0 =	vlaneseq.u32;
	s19 =	sadd.s32 $0x300, s1;
	s21 =	sadd.s32 $0x40000, s17;
	[dreg:$0xd] =	wrdreg s0  }
0x17: {  	v1 =	vshrl.u32 v0, $0x3;
	s0 =	sadd.s32 s5, s28;
	s22 =	sadd.s32 $0x80000, s17;
	s23 =	sadd.s32 $0xC0000, s17  }
0x18: {  	vm0 =	vmmov $0xffff;
	v0 =	vand.u32 $0x7, v0;
	v1 =	vmul.u32 $0x8, v1;
	s5 =	simm.s32 $0x0;
	[dreg:$0x10] =	wrdreg s0;
	s0 =	simm.s32 $0x4  }
.LBB2_1:
0x19: {  	[dreg:$0x12] =	wrdreg s5  }
0x1a: {  	s2 =	rddreg [dreg:$0x7]  }
0x1b: {  	[tilespmem:s7], [sflag:$0x1] =	stream.linear.gather [hbm4b:s2+s7], $0x40, $0x38;
	[tilespmem:$0x14C00] =	vst v63  }
0x1c: {  	s26 =	rddreg [dreg:$0x8];
	s4 =	simm.s32 $0x200  }
0x1d: {  	[tilespmem:s4], [sflag:$0x1] =	stream.linear.gather [hbm4b:s26+s7], $0x40, $0x38;
	[tilespmem:$0x14C00] =	vst v63  }
0x1e: {  	s28 =	rddreg [dreg:$0x9];
	s30 =	simm.s32 $0x80  }
0x1f: {  	[tilespmem:s30], [sflag:$0x1] =	stream.linear.gather [hbm4b:s28+s7], $0x40, $0x38;
	[tilespmem:$0x14C00] =	vst v63  }
0x20: {  	s5 =	rddreg [dreg:$0xa];
	s8 =	simm.s32 $0x280  }
0x21: {  	[tilespmem:s8], [sflag:$0x1] =	stream.linear.gather [hbm4b:s5+s7], $0x40, $0x38;
	[tilespmem:$0x14C00] =	vst v63  }
0x22: {  	s12 =	rddreg [dreg:$0xb];
	s13 =	simm.s32 $0x100  }
0x23: {  	[tilespmem:s13], [sflag:$0x1] =	stream.linear.gather [hbm4b:s12+s7], $0x40, $0x38;
	[tilespmem:$0x14C00] =	vst v63  }
0x24: {  	s14 =	rddreg [dreg:$0xc];
	s20 =	simm.s32 $0x300  }
0x25: {  	[tilespmem:s20], [sflag:$0x1] =	stream.linear.gather [hbm4b:s14+s7], $0x40, $0x38;
	[tilespmem:$0x14C00] =	vst v63  }
0x26: {  	s25 =	rddreg [dreg:$0xd];
	s26 =	simm.s32 $0x180  }
0x27: {  	[tilespmem:s26], [sflag:$0x1] =	stream.linear.gather [hbm4b:s25+s7], $0x40, $0x38;
	[tilespmem:$0x14C00] =	vst v63  }
0x28: {  	s28 =	rddreg [dreg:$0xe];
	s30 =	simm.s32 $0x380  }
0x29: {  	[tilespmem:s30], [sflag:$0x1] =	stream.linear.gather [hbm4b:s28+s7], $0x40, $0x38;
	[tilespmem:$0x14C00] =	vst v63  }
0x2a: {  	s5 =	rddreg [dreg:$0x3];
	s8 =	simm.s32 $0x400;
	s12 =	simm.s32 $0x1  }
0x2b: {  	[tilespmem:s8], [sflag:$0x1] =	stream.linear.gather [hbm4b:s5+s7], $0x800, $0x38;
	[tilespmem:$0x14C00] =	vst v63  }
0x2c: {  	_ =	swait.ge [sflag:s12], $0x40  }
0x2d: {  	[sflag:s12] =	ssyncset.done $0x0  }
0x2e: {  	[sflag:s12] =	ssyncadd.s32 $0xFFFFFFC0  }
0x2f: {  	_ =	swait.ge [sflag:s12], $0x40  }
0x30: {  	[sflag:s12] =	ssyncset.done $0x0  }
0x31: {  	[sflag:s12] =	ssyncadd.s32 $0xFFFFFFC0  }
0x32: {  	_ =	swait.ge [sflag:s12], $0x40  }
0x33: {  	[sflag:s12] =	ssyncset.done $0x0  }
0x34: {  	[sflag:s12] =	ssyncadd.s32 $0xFFFFFFC0  }
0x35: {  	_ =	swait.ge [sflag:s12], $0x40  }
0x36: {  	[sflag:s12] =	ssyncset.done $0x0  }
0x37: {  	[sflag:s12] =	ssyncadd.s32 $0xFFFFFFC0  }
0x38: {  	_ =	swait.ge [sflag:s12], $0x40  }
0x39: {  	[sflag:s12] =	ssyncset.done $0x0  }
0x3a: {  	[sflag:s12] =	ssyncadd.s32 $0xFFFFFFC0  }
0x3b: {  	_ =	swait.ge [sflag:s12], $0x40  }
0x3c: {  	[sflag:s12] =	ssyncset.done $0x0  }
0x3d: {  	[sflag:s12] =	ssyncadd.s32 $0xFFFFFFC0  }
0x3e: {  	_ =	swait.ge [sflag:s12], $0x40  }
0x3f: {  	[sflag:s12] =	ssyncset.done $0x0  }
0x40: {  	[sflag:s12] =	ssyncadd.s32 $0xFFFFFFC0  }
0x41: {  	_ =	swait.ge [sflag:s12], $0x40  }
0x42: {  	[sflag:s12] =	ssyncset.done $0x0  }
0x43: {  	[sflag:s12] =	ssyncadd.s32 $0xFFFFFFC0  }
0x44: {  	_ =	swait.ge [sflag:s12], $0x800  }
0x45: {  	[sflag:s12] =	ssyncset.done $0x0  }
0x46: {  	[sflag:s12] =	ssyncadd.s32 $0xFFFFF800  }
0x47: {  	v2 =	vld.msk [tilespmem:$0x0], $0xff;
	_ =	sdelay $0x4  }
0x48: {  	v3 =	vshll.u32 v2, $0x3  }
0x49: {  	v2 =	vand.u32 $0x7, v2;
	v3 =	vand.u32 $0xFFFFFFC0, v3  }
0x4a: {  	v2 =	vor.u32 v2, v3  }
0x4b: {  	v2 =	vperm.xlane v2, v0;
	_ =	sdelay $0x1  }
0x4c: {  	v2 =	vadd.s32 v1, v2;
	_ =	sdelay $0x3  }
0x4d: {  	s13 =	simm.s32 $0x4C00  }
0x4e: {  	[tilespmem:s13], [sflag:$0x2] =	stream.indirect_vreg.gather [hbm4b:s1+s7], $0x80, v2, vm0, $0xb8;
	[tilespmem:$0x14C00] =	vst v63  }
0x4f: {  	s14 =	simm.s32 $0x5400  }
0x50: {  	[tilespmem:s14], [sflag:$0x2] =	stream.indirect_vreg.gather [hbm4b:s16+s7], $0x80, v2, vm0, $0xb8;
	[tilespmem:$0x14C00] =	vst v63  }
0x51: {  	s20 =	simm.s32 $0x5C00  }
0x52: {  	[tilespmem:s20], [sflag:$0x2] =	stream.indirect_vreg.gather [hbm4b:s18+s7], $0x80, v2, vm0, $0xb8;
	[tilespmem:$0x14C00] =	vst v63  }
0x53: {  	s25 =	simm.s32 $0x6400  }
0x54: {  	[tilespmem:s25], [sflag:$0x2] =	stream.indirect_vreg.gather [hbm4b:s19+s7], $0x80, v2, vm0, $0xb8;
	[tilespmem:$0x14C00] =	vst v63  }
0x55: {  	v2 =	vld.msk [tilespmem:$0x80], $0xff;
	_ =	sdelay $0x4  }
0x56: {  	v3 =	vshll.u32 v2, $0x3  }
0x57: {  	v2 =	vand.u32 $0x7, v2;
	v3 =	vand.u32 $0xFFFFFFC0, v3  }
0x58: {  	v2 =	vor.u32 v2, v3  }
0x59: {  	v2 =	vperm.xlane v2, v0;
	_ =	sdelay $0x1  }
0x5a: {  	v2 =	vadd.s32 v1, v2;
	_ =	sdelay $0x3  }
0x5b: {  	s26 =	simm.s32 $0x6C00  }
0x5c: {  	[tilespmem:s26], [sflag:$0x2] =	stream.indirect_vreg.gather [hbm4b:s1+s7], $0x80, v2, vm0, $0xb8;
	[tilespmem:$0x14C00] =	vst v63  }
0x5d: {  	s28 =	simm.s32 $0x7400  }
0x5e: {  	[tilespmem:s28], [sflag:$0x2] =	stream.indirect_vreg.gather [hbm4b:s16+s7], $0x80, v2, vm0, $0xb8;
	[tilespmem:$0x14C00] =	vst v63  }
0x5f: {  	s30 =	simm.s32 $0x7C00  }
0x60: {  	[tilespmem:s30], [sflag:$0x2] =	stream.indirect_vreg.gather [hbm4b:s18+s7], $0x80, v2, vm0, $0xb8;
	[tilespmem:$0x14C00] =	vst v63  }
0x61: {  	s4 =	simm.s32 $0x8400  }
0x62: {  	[tilespmem:s4], [sflag:$0x2] =	stream.indirect_vreg.gather [hbm4b:s19+s7], $0x80, v2, vm0, $0xb8;
	[tilespmem:$0x14C00] =	vst v63  }
0x63: {  	v2 =	vld.msk [tilespmem:$0x100], $0xff;
	_ =	sdelay $0x4  }
0x64: {  	v3 =	vshll.u32 v2, $0x3  }
0x65: {  	v2 =	vand.u32 $0x7, v2;
	v3 =	vand.u32 $0xFFFFFFC0, v3  }
0x66: {  	v2 =	vor.u32 v2, v3  }
0x67: {  	v2 =	vperm.xlane v2, v0;
	_ =	sdelay $0x1  }
0x68: {  	v2 =	vadd.s32 v1, v2;
	_ =	sdelay $0x3  }
0x69: {  	s5 =	simm.s32 $0x8C00  }
0x6a: {  	[tilespmem:s5], [sflag:$0x2] =	stream.indirect_vreg.gather [hbm4b:s1+s7], $0x80, v2, vm0, $0xb8;
	[tilespmem:$0x14C00] =	vst v63  }
0x6b: {  	s8 =	simm.s32 $0x9400  }
0x6c: {  	[tilespmem:s8], [sflag:$0x2] =	stream.indirect_vreg.gather [hbm4b:s16+s7], $0x80, v2, vm0, $0xb8;
	[tilespmem:$0x14C00] =	vst v63  }
0x6d: {  	s12 =	simm.s32 $0x9C00  }
0x6e: {  	[tilespmem:s12], [sflag:$0x2] =	stream.indirect_vreg.gather [hbm4b:s18+s7], $0x80, v2, vm0, $0xb8;
	[tilespmem:$0x14C00] =	vst v63  }
0x6f: {  	s13 =	simm.s32 $0xA400  }
0x70: {  	[tilespmem:s13], [sflag:$0x2] =	stream.indirect_vreg.gather [hbm4b:s19+s7], $0x80, v2, vm0, $0xb8;
	[tilespmem:$0x14C00] =	vst v63  }
0x71: {  	v2 =	vld.msk [tilespmem:$0x180], $0xff;
	_ =	sdelay $0x4  }
0x72: {  	v3 =	vshll.u32 v2, $0x3  }
0x73: {  	v2 =	vand.u32 $0x7, v2;
	v3 =	vand.u32 $0xFFFFFFC0, v3  }
0x74: {  	v2 =	vor.u32 v2, v3  }
0x75: {  	v2 =	vperm.xlane v2, v0;
	_ =	sdelay $0x1  }
0x76: {  	v2 =	vadd.s32 v1, v2;
	_ =	sdelay $0x3  }
0x77: {  	s14 =	simm.s32 $0xAC00  }
0x78: {  	[tilespmem:s14], [sflag:$0x2] =	stream.indirect_vreg.gather [hbm4b:s1+s7], $0x80, v2, vm0, $0xb8;
	[tilespmem:$0x14C00] =	vst v63  }
0x79: {  	s20 =	simm.s32 $0xB400  }
0x7a: {  	[tilespmem:s20], [sflag:$0x2] =	stream.indirect_vreg.gather [hbm4b:s16+s7], $0x80, v2, vm0, $0xb8;
	[tilespmem:$0x14C00] =	vst v63  }
0x7b: {  	s25 =	simm.s32 $0xBC00  }
0x7c: {  	[tilespmem:s25], [sflag:$0x2] =	stream.indirect_vreg.gather [hbm4b:s18+s7], $0x80, v2, vm0, $0xb8;
	[tilespmem:$0x14C00] =	vst v63  }
0x7d: {  	s26 =	simm.s32 $0xC400  }
0x7e: {  	[tilespmem:s26], [sflag:$0x2] =	stream.indirect_vreg.gather [hbm4b:s19+s7], $0x80, v2, vm0, $0xb8;
	[tilespmem:$0x14C00] =	vst v63  }
0x7f: {  	s28 =	rddreg [dreg:$0x10];
	s30 =	simm.s32 $0xC00;
	s13 =	simm.s32 $0x0  }
0x80: {  	[tilespmem:s30], [sflag:$0x6] =	stream.linear.gather [hbm4b:s28+s7], $0x2000, $0x38;
	[tilespmem:$0x14C00] =	vst v63  }
.LBB2_2:
0x81: {  	p0 =	seq.s32 s13, $0x0  }
0x82: {  	s4 =	simm.s32 @!p0 $0x5  }
0x83: {  	_ =	swait.ge @!p0 [sflag:s4], $0x8000  }
0x84: {  	s2 =	sshll.u32 s13, $0x4;
	[sflag:s4] =	ssyncset.done @!p0 $0x0  }
0x85: {  	s14 =	sor.u32 $0x8, s2;
	[sflag:s4] =	ssyncadd.s32 @!p0 $0xFFFF8000  }
0x86: {  	v2 =	vld.msk [tilespmem:s14+$0x0], $0xff;
	_ =	sdelay $0x4  }
0x87: {  	v3 =	vshll.u32 v2, $0x3  }
0x88: {  	v2 =	vand.u32 $0x7, v2;
	v3 =	vand.u32 $0xFFFFFFC0, v3  }
0x89: {  	v2 =	vor.u32 v2, v3  }
0x8a: {  	v2 =	vperm.xlane v2, v0;
	_ =	sdelay $0x1  }
0x8b: {  	v2 =	vadd.s32 v1, v2;
	_ =	sdelay $0x3  }
0x8c: {  	s8 =	simm.s32 $0x0  }
0x8d: {  	[tilespmem:s24], [sflag:$0x3] =	stream.indirect_vreg.gather [hbm4b:s1+s8], $0x80, v2, vm0, $0xb8;
	[tilespmem:$0x14C00] =	vst v63  }
0x8e: {  	s26 =	simm.s32 $0xD400  }
0x8f: {  	[tilespmem:s26], [sflag:$0x3] =	stream.indirect_vreg.gather [hbm4b:s16+s8], $0x80, v2, vm0, $0xb8;
	[tilespmem:$0x14C00] =	vst v63  }
0x90: {  	s30 =	simm.s32 $0xDC00  }
0x91: {  	[tilespmem:s30], [sflag:$0x3] =	stream.indirect_vreg.gather [hbm4b:s18+s8], $0x80, v2, vm0, $0xb8;
	[tilespmem:$0x14C00] =	vst v63  }
0x92: {  	s5 =	simm.s32 $0xE400  }
0x93: {  	[tilespmem:s5], [sflag:$0x3] =	stream.indirect_vreg.gather [hbm4b:s19+s8], $0x80, v2, vm0, $0xb8;
	[tilespmem:$0x14C00] =	vst v63  }
0x94: {  	v2 =	vld.msk [tilespmem:s2+$0x88], $0xff;
	_ =	sdelay $0x4  }
0x95: {  	v3 =	vshll.u32 v2, $0x3  }
0x96: {  	v2 =	vand.u32 $0x7, v2;
	v3 =	vand.u32 $0xFFFFFFC0, v3  }
0x97: {  	v2 =	vor.u32 v2, v3  }
0x98: {  	v2 =	vperm.xlane v2, v0;
	_ =	sdelay $0x1  }
0x99: {  	v2 =	vadd.s32 v1, v2;
	_ =	sdelay $0x4  }
0x9a: {  	[tilespmem:s31], [sflag:$0x3] =	stream.indirect_vreg.gather [hbm4b:s1+s8], $0x80, v2, vm0, $0xb8;
	[tilespmem:$0x14C00] =	vst v63  }
0x9b: {  	s12 =	simm.s32 $0xF400  }
0x9c: {  	[tilespmem:s12], [sflag:$0x3] =	stream.indirect_vreg.gather [hbm4b:s16+s8], $0x80, v2, vm0, $0xb8;
	[tilespmem:$0x14C00] =	vst v63  }
0x9d: {  	s20 =	simm.s32 $0xFC00  }
0x9e: {  	[tilespmem:s20], [sflag:$0x3] =	stream.indirect_vreg.gather [hbm4b:s18+s8], $0x80, v2, vm0, $0xb8;
	[tilespmem:$0x14C00] =	vst v63  }
0x9f: {  	s25 =	simm.s32 $0x10400  }
0xa0: {  	[tilespmem:s25], [sflag:$0x3] =	stream.indirect_vreg.gather [hbm4b:s19+s8], $0x80, v2, vm0, $0xb8;
	[tilespmem:$0x14C00] =	vst v63  }
0xa1: {  	v2 =	vld.msk [tilespmem:s2+$0x108], $0xff;
	_ =	sdelay $0x4  }
0xa2: {  	v3 =	vshll.u32 v2, $0x3  }
0xa3: {  	v2 =	vand.u32 $0x7, v2;
	v3 =	vand.u32 $0xFFFFFFC0, v3  }
0xa4: {  	v2 =	vor.u32 v2, v3  }
0xa5: {  	v2 =	vperm.xlane v2, v0;
	_ =	sdelay $0x1  }
0xa6: {  	v2 =	vadd.s32 v1, v2;
	_ =	sdelay $0x4  }
0xa7: {  	[tilespmem:s10], [sflag:$0x3] =	stream.indirect_vreg.gather [hbm4b:s1+s8], $0x80, v2, vm0, $0xb8;
	[tilespmem:$0x14C00] =	vst v63  }
0xa8: {  	s26 =	simm.s32 $0x11400  }
0xa9: {  	[tilespmem:s26], [sflag:$0x3] =	stream.indirect_vreg.gather [hbm4b:s16+s8], $0x80, v2, vm0, $0xb8;
	[tilespmem:$0x14C00] =	vst v63  }
0xaa: {  	s30 =	simm.s32 $0x11C00  }
0xab: {  	[tilespmem:s30], [sflag:$0x3] =	stream.indirect_vreg.gather [hbm4b:s18+s8], $0x80, v2, vm0, $0xb8;
	[tilespmem:$0x14C00] =	vst v63  }
0xac: {  	s5 =	simm.s32 $0x12400  }
0xad: {  	[tilespmem:s5], [sflag:$0x3] =	stream.indirect_vreg.gather [hbm4b:s19+s8], $0x80, v2, vm0, $0xb8;
	[tilespmem:$0x14C00] =	vst v63  }
0xae: {  	v2 =	vld.msk [tilespmem:s2+$0x188], $0xff;
	_ =	sdelay $0x4  }
0xaf: {  	v3 =	vshll.u32 v2, $0x3  }
0xb0: {  	v2 =	vand.u32 $0x7, v2;
	v3 =	vand.u32 $0xFFFFFFC0, v3  }
0xb1: {  	v2 =	vor.u32 v2, v3  }
0xb2: {  	v2 =	vperm.xlane v2, v0;
	_ =	sdelay $0x1  }
0xb3: {  	v2 =	vadd.s32 v1, v2;
	_ =	sdelay $0x4  }
0xb4: {  	[tilespmem:s15], [sflag:$0x3] =	stream.indirect_vreg.gather [hbm4b:s1+s8], $0x80, v2, vm0, $0xb8;
	[tilespmem:$0x14C00] =	vst v63  }
0xb5: {  	s12 =	simm.s32 $0x13400  }
0xb6: {  	[tilespmem:s12], [sflag:$0x3] =	stream.indirect_vreg.gather [hbm4b:s16+s8], $0x80, v2, vm0, $0xb8;
	[tilespmem:$0x14C00] =	vst v63  }
0xb7: {  	s20 =	simm.s32 $0x13C00;
	s26 =	sor.u32 s6, s14  }
0xb8: {  	[tilespmem:s20], [sflag:$0x3] =	stream.indirect_vreg.gather [hbm4b:s18+s8], $0x80, v2, vm0, $0xb8;
	[tilespmem:$0x14C00] =	vst v63  }
0xb9: {  	s25 =	simm.s32 $0x14400;
	s30 =	rddreg [dreg:$0x4];
	s20 =	sshll.u32 s26, $0x7  }
0xba: {  	[tilespmem:s25], [sflag:$0x3] =	stream.indirect_vreg.gather [hbm4b:s19+s8], $0x80, v2, vm0, $0xb8;
	[tilespmem:$0x14C00] =	vst v63  }
0xbb: {  	s5 =	simm.s32 $0x2C00;
	s4 =	sadd.s32 s30, s20  }
0xbc: {  	[tilespmem:s5], [sflag:$0x7] =	stream.linear.gather [hbm4b:s4+s8], $0x2000, $0x38;
	[tilespmem:$0x14C00] =	vst v63  }
0xbd: {  	_ =	swait.ge [sflag:s29], $0x8000  }
0xbe: {  	[sflag:s29] =	ssyncset.done $0x0  }
0xbf: {  	[sflag:s29] =	ssyncadd.s32 $0xFFFF8000  }
0xc0: {  	_ =	swait.ge [sflag:s3], $0x2000  }
0xc1: {  	[sflag:s3] =	ssyncset.done $0x0  }
0xc2: {  	s28 =	simm.s32 $0x0;
	[sflag:s3] =	ssyncadd.s32 $0xFFFFE000  }
.LBB2_3:
0xc3: {  	s4 =	sor.u32 s2, s28  }
0xc4: {  	v2 =	vld [tilespmem:s4+$0x200]  }
0xc5: {  	v3 =	vld [tilespmem:s4+$0x280]  }
0xc6: {  	v4 =	vld [tilespmem:s4+$0x300]  }
0xc7: {  	s25 =	simm.s32 $0x480;
	v5 =	vld [tilespmem:s4+$0x380]  }
0xc8: {  	v6 =	vld [tilespmem:s25+$0xFFFFFFF0]  }
0xc9: {  	v7 =	vld [tilespmem:s25+$0x70]  }
0xca: {  	v16 =	vld [tilespmem:s25+$0x0]  }
0xcb: {  	v17 =	vld [tilespmem:s25+$0xFFFFFF90]  }
0xcc: {  	v18 =	vld [tilespmem:s25+$0x10]  }
0xcd: {  	v19 =	vld [tilespmem:s25+$0xFFFFFFA0]  }
0xce: {  	v20 =	vld [tilespmem:s25+$0x20]  }
0xcf: {  	v21 =	vld [tilespmem:s25+$0xFFFFFFB0]  }
0xd0: {  	v22 =	vld [tilespmem:s25+$0x30]  }
0xd1: {  	v23 =	vld [tilespmem:s25+$0xFFFFFFC0]  }
0xd2: {  	v24 =	vld [tilespmem:s25+$0x40]  }
0xd3: {  	v25 =	vld [tilespmem:s25+$0xFFFFFFD0]  }
0xd4: {  	v27 =	vld [tilespmem:s25+$0x50]  }
0xd5: {  	v28 =	vld [tilespmem:s25+$0xFFFFFFE0]  }
0xd6: {  	v30 =	vld [tilespmem:s25+$0x60]  }
0xd7: {  	s4 =	sshra.s32 s8, $0x2;
	v31 =	vld [tilespmem:s25+$0xFFFFFF80]  }
0xd8: {  	v10 =	vld [tilespmem:s4+$0xC00]  }
0xd9: {  	v11 =	vld [tilespmem:s4+$0xC20]  }
0xda: {  	v12 =	vld [tilespmem:s4+$0xC30];
	(v2sf) =	vpush v2, $0x0  }
0xdb: {  	v13 =	vld [tilespmem:s4+$0xC40];
	(v2sf) =	vpush v3, $0x0  }
0xdc: {  	v14 =	vld [tilespmem:s4+$0xC50];
	(v2sf) =	vpush v4, $0x0  }
0xdd: {  	v15 =	vld [tilespmem:s4+$0xC60];
	(v2sf) =	vpush v5, $0x0  }
0xde: {  	v33 =	vld [tilespmem:s4+$0x4C00]  }
0xdf: {  	v36 =	vld [tilespmem:s4+$0x6C10]  }
0xe0: {  	v50 =	vld [tilespmem:s4+$0x8C20]  }
0xe1: {  	v55 =	vld [tilespmem:s4+$0xAC30];
	v26 =	vsub.f32 v7, v6  }
0xe2: {  	v58 =	vld [tilespmem:s4+$0x4C50];
	v30 =	vsub.f32 v30, v28;
	v11 =	vadd.f32 v11, v19  }
0xe3: {  	v2 =	vld [tilespmem:s4+$0xC70];
	v19 =	vsub.f32 v20, v19;
	v12 =	vadd.f32 v12, v21  }
0xe4: {  	v20 =	vld [tilespmem:s4+$0x8C00];
	v21 =	vsub.f32 v22, v21;
	v13 =	vadd.f32 v13, v23  }
0xe5: {  	v22 =	vld [tilespmem:s4+$0xAC00];
	v23 =	vsub.f32 v24, v23;
	v35 =	vadd.f32 v14, v25  }
0xe6: {  	v25 =	vsub.f32 v27, v25;
	v27 =	vadd.f32 v10, v31;
	v5 =	vld [tilespmem:s4+$0xC10]  }
0xe7: {  	v10 =	vadd.f32 v15, v28;
	v15 =	vsub.f32 v16, v31;
	v4 =	vld [tilespmem:s4+$0xAC70]  }
0xe8: {  	v14 =	vld [tilespmem:s4+$0x4C10];
	v28 =	vadd.f32 v27, v33;
	v54 =	vadd.f32 v50, v11  }
0xe9: {  	v16 =	vld [tilespmem:s4+$0x8C10];
	v57 =	vadd.f32 v55, v12;
	v62 =	vadd.f32 v35, v58;
	s26 =	spop (v2sf)  }
0xea: {  	v2 =	vadd.f32 v2, v6;
	v20 =	vadd.f32 v20, v27;
	s30 =	spop (v2sf)  }
0xeb: {  	v32 =	vadd.f32 v5, v17;
	v17 =	vsub.f32 v18, v17;
	v18 =	vld [tilespmem:s4+$0x6C00];
	s26 =	scvt.s32.f32 s26;
	s12 =	spop (v2sf)  }
0xec: {  	v22 =	vadd.f32 v22, v27;
	v9 =	vadd.f32 v4, v2;
	s5 =	spop (v2sf)  }
0xed: {  	v14 =	vadd.f32 v32, v14;
	v36 =	vadd.f32 v36, v32;
	s12 =	scvt.s32.f32 s12;
	v6 =	vmov s26;
	s5 =	scvt.s32.f32 s5  }
0xee: {  	v49 =	vld [tilespmem:s4+$0xAC10];
	v16 =	vadd.f32 v16, v32;
	v4 =	vmul.f32 v26, v6;
	v31 =	vmul.f32 v19, v6  }
0xef: {  	v37 =	vmul.f32 v15, v6;
	v8 =	vmov s12;
	v3 =	vmov s5;
	s5 =	scvt.s32.f32 s30  }
0xf0: {  	v18 =	vadd.f32 v18, v27;
	v5 =	vmul.f32 v26, v8;
	v40 =	vmul.f32 v15, v8  }
0xf1: {  	v27 =	vld [tilespmem:s4+$0x6C20];
	v28 =	vadd.f32 v28, v37;
	v29 =	vmul.f32 v26, v3;
	v7 =	vmov s5  }
0xf2: {  	v38 =	vld [tilespmem:s4+$0x4C20];
	v24 =	vmul.f32 v17, v8;
	v20 =	vadd.f32 v20, v40;
	v39 =	vmul.f32 v15, v7  }
0xf3: {  	[tilespmem:s4+$0x4C00] =	vst v28;
	v28 =	vadd.f32 v49, v32;
	v29 =	vadd.f32 v9, v29;
	v15 =	vmul.f32 v15, v3  }
0xf4: {  	v52 =	vld [tilespmem:s4+$0x4C30];
	v9 =	vmul.f32 v26, v7;
	v26 =	vmul.f32 v17, v6;
	[tilespmem:s4+$0x8C00] =	vst v20;
	v18 =	vadd.f32 v18, v39  }
0xf5: {  	v34 =	vmul.f32 v17, v7;
	v17 =	vmul.f32 v17, v3;
	[tilespmem:s4+$0xAC70] =	vst v29;
	v15 =	vadd.f32 v22, v15  }
0xf6: {  	v56 =	vmul.f32 v21, v7;
	v20 =	vadd.f32 v27, v11;
	v29 =	vld [tilespmem:s4+$0xAC20];
	v14 =	vadd.f32 v14, v26;
	[tilespmem:s4+$0x6C00] =	vst v18  }
0xf7: {  	v27 =	vmul.f32 v21, v6;
	v22 =	vld [tilespmem:s4+$0x6C30];
	v18 =	vadd.f32 v11, v38;
	[tilespmem:s4+$0xAC00] =	vst v15;
	v15 =	vadd.f32 v36, v34  }
0xf8: {  	v26 =	vld [tilespmem:s4+$0x8C30];
	[tilespmem:s4+$0x4C10] =	vst v14;
	v14 =	vadd.f32 v16, v24;
	v24 =	vmul.f32 v21, v8;
	v21 =	vmul.f32 v21, v3  }
0xf9: {  	v51 =	vmul.f32 v19, v7;
	v16 =	vld [tilespmem:s4+$0x4C40];
	[tilespmem:s4+$0x6C10] =	vst v15;
	v15 =	vadd.f32 v28, v17;
	v17 =	vadd.f32 v12, v52  }
0xfa: {  	v61 =	vld [tilespmem:s4+$0x4C60];
	v53 =	vmul.f32 v19, v8;
	[tilespmem:s4+$0x8C10] =	vst v14;
	v14 =	vadd.f32 v18, v31;
	v21 =	vadd.f32 v57, v21  }
0xfb: {  	v19 =	vmul.f32 v19, v3;
	v28 =	vld [tilespmem:s4+$0x6C40];
	v11 =	vadd.f32 v29, v11;
	[tilespmem:s4+$0xAC10] =	vst v15;
	v15 =	vadd.f32 v20, v51  }
0xfc: {  	v60 =	vmul.f32 v25, v6;
	v18 =	vadd.f32 v22, v12;
	v22 =	vld [tilespmem:s4+$0x8C40];
	[tilespmem:s4+$0x4C20] =	vst v14;
	v14 =	vadd.f32 v54, v53  }
0xfd: {  	v59 =	vmul.f32 v23, v8;
	v20 =	vadd.f32 v26, v12;
	v26 =	vld [tilespmem:s4+$0xAC40];
	v11 =	vadd.f32 v11, v19;
	[tilespmem:s4+$0x6C20] =	vst v15  }
0xfe: {  	v31 =	vmul.f32 v23, v7;
	v15 =	vadd.f32 v13, v16;
	v16 =	vld [tilespmem:s4+$0x6C50];
	[tilespmem:s4+$0x8C20] =	vst v14;
	v14 =	vadd.f32 v17, v27  }
0xff: {  	v29 =	vmul.f32 v23, v6;
	v12 =	vmul.f32 v25, v7;
	v27 =	vld [tilespmem:s4+$0x8C50];
	v20 =	vadd.f32 v20, v24;
	[tilespmem:s4+$0xAC20] =	vst v11  }
0x100: {  	v19 =	vmul.f32 v23, v3;
	v17 =	vadd.f32 v28, v13;
	v11 =	vadd.f32 v18, v56;
	v28 =	vld [tilespmem:s4+$0xAC50];
	[tilespmem:s4+$0x4C30] =	vst v14  }
0x101: {  	v63 =	vld [tilespmem:s4+$0x6C60];
	v18 =	vadd.f32 v22, v13;
	v14 =	vmul.f32 v25, v3;
	[tilespmem:s4+$0x8C30] =	vst v20;
	v20 =	vadd.f32 v15, v29  }
0x102: {  	[tilespmem:s4+$0xAC30] =	vst v21;
	v22 =	vld [tilespmem:s4+$0x8C60];
	v15 =	vmul.f32 v30, v7;
	v29 =	vadd.f32 v62, v60;
	v26 =	vadd.f32 v26, v13  }
0x103: {  	v21 =	vld [tilespmem:s4+$0xAC60];
	v13 =	vmul.f32 v25, v8;
	[tilespmem:s4+$0x6C30] =	vst v11;
	v17 =	vadd.f32 v17, v31;
	v23 =	vadd.f32 v16, v35  }
0x104: {  	v11 =	vmul.f32 v30, v6;
	[tilespmem:s4+$0x4C40] =	vst v20;
	v24 =	vadd.f32 v27, v35;
	v27 =	vadd.f32 v18, v59;
	v18 =	vld [tilespmem:s4+$0x4C70]  }
0x105: {  	v20 =	vld [tilespmem:s4+$0x6C70];
	v16 =	vmul.f32 v30, v8;
	[tilespmem:s4+$0x6C40] =	vst v17;
	v25 =	vadd.f32 v28, v35;
	v28 =	vadd.f32 v26, v19  }
0x106: {  	s25 =	simm.s32 $0x0;
	s26 =	smov.u32 s8;
	s30 =	simm.s32 $0x580;
	v17 =	vmul.f32 v30, v3;
	v26 =	vadd.f32 v10, v61;
	v19 =	vld [tilespmem:s4+$0x8C70];
	[tilespmem:s4+$0x8C40] =	vst v27;
	v27 =	vadd.f32 v63, v10  }
.LBB2_4:
0x107: {  	v30 =	vld [tilespmem:s30+$0xFFFFFFF0];
	[tilespmem:s4+$0xAC40] =	vst v28;
	v12 =	vadd.f32 v23, v12;
	v22 =	vadd.f32 v22, v10;
	s26 =	sadd.s32 $0x1000, s26  }
0x108: {  	s25 =	sadd.s32 $0x8, s25;
	v13 =	vadd.f32 v24, v13;
	s5 =	sshra.s32 s26, $0x2;
	v23 =	vld [tilespmem:s30+$0x70];
	[tilespmem:s4+$0x4C50] =	vst v29;
	v10 =	vadd.f32 v21, v10  }
0x109: {  	p0 =	slt.u32 s25, $0x38;
	v21 =	vld [tilespmem:s5+$0xC70];
	[tilespmem:s4+$0x6C50] =	vst v12;
	v12 =	vadd.f32 v25, v14;
	v14 =	vadd.f32 v2, v18  }
0x10a: {  	v11 =	vadd.f32 v26, v11;
	v24 =	vld [tilespmem:s5+$0xC00];
	[tilespmem:s4+$0x8C50] =	vst v13;
	v13 =	vadd.f32 v20, v2  }
0x10b: {  	v18 =	vld [tilespmem:s5+$0xAC70];
	[tilespmem:s4+$0xAC50] =	vst v12;
	v12 =	vadd.f32 v27, v15;
	v15 =	vadd.f32 v19, v2  }
0x10c: {  	v10 =	vadd.f32 v10, v17;
	v19 =	vld [tilespmem:s5+$0xC10];
	[tilespmem:s4+$0x4C60] =	vst v11;
	v11 =	vadd.f32 v22, v16  }
0x10d: {  	v13 =	vadd.f32 v13, v9;
	v16 =	vld [tilespmem:s5+$0xC20];
	[tilespmem:s4+$0x6C60] =	vst v12;
	v12 =	vadd.f32 v14, v4  }
0x10e: {  	v17 =	vsub.f32 v23, v30;
	v14 =	vld [tilespmem:s5+$0xC30];
	v2 =	vadd.f32 v21, v30;
	[tilespmem:s4+$0x8C60] =	vst v11  }
0x10f: {  	v11 =	vld [tilespmem:s5+$0xC40];
	[tilespmem:s4+$0xAC60] =	vst v10;
	v10 =	vadd.f32 v15, v5  }
0x110: {  	v4 =	vmul.f32 v17, v6;
	v20 =	vmul.f32 v17, v3;
	v15 =	vld [tilespmem:s5+$0xC50];
	v18 =	vadd.f32 v18, v2;
	[tilespmem:s4+$0x4C70] =	vst v12  }
0x111: {  	v9 =	vmul.f32 v17, v7;
	v5 =	vmul.f32 v17, v8;
	v12 =	vld [tilespmem:s5+$0xC60];
	[tilespmem:s4+$0x6C70] =	vst v13  }
0x112: {  	v13 =	vld [tilespmem:s30+$0x0];
	v17 =	vadd.f32 v18, v20;
	[tilespmem:s4+$0x8C70] =	vst v10;
	s4 =	smov.u32 s5  }
0x113: {  	v10 =	vld [tilespmem:s30+$0xFFFFFF90]  }
0x114: {  	v18 =	vld [tilespmem:s30+$0x10];
	[tilespmem:s4+$0xAC70] =	vst v17  }
0x115: {  	v17 =	vld [tilespmem:s30+$0xFFFFFFA0]  }
0x116: {  	v20 =	vld [tilespmem:s30+$0x20]  }
0x117: {  	v21 =	vld [tilespmem:s30+$0xFFFFFFB0]  }
0x118: {  	v22 =	vadd.f32 v19, v10;
	v19 =	vld [tilespmem:s30+$0x30]  }
0x119: {  	v10 =	vsub.f32 v18, v10;
	v18 =	vld [tilespmem:s30+$0xFFFFFFC0]  }
0x11a: {  	v23 =	vadd.f32 v16, v17;
	v16 =	vld [tilespmem:s30+$0x40]  }
0x11b: {  	v25 =	vmul.f32 v10, v6;
	v26 =	vmul.f32 v10, v7;
	v17 =	vsub.f32 v20, v17;
	v20 =	vld [tilespmem:s30+$0xFFFFFFD0]  }
0x11c: {  	v27 =	vmul.f32 v10, v8;
	v28 =	vmul.f32 v10, v3;
	v29 =	vadd.f32 v14, v21;
	v10 =	vld [tilespmem:s30+$0x50]  }
0x11d: {  	v30 =	vmul.f32 v17, v6;
	v31 =	vmul.f32 v17, v7;
	v14 =	vsub.f32 v19, v21;
	v21 =	vld [tilespmem:s30+$0xFFFFFFE0]  }
0x11e: {  	v32 =	vmul.f32 v17, v8;
	v33 =	vmul.f32 v17, v3;
	v34 =	vadd.f32 v11, v18;
	v11 =	vld [tilespmem:s30+$0x60]  }
0x11f: {  	v17 =	vld [tilespmem:s30+$0xFFFFFF80];
	v35 =	vmul.f32 v14, v6;
	v36 =	vmul.f32 v14, v7;
	v16 =	vsub.f32 v16, v18  }
0x120: {  	v38 =	vmul.f32 v14, v8;
	v39 =	vmul.f32 v14, v3;
	v37 =	vld [tilespmem:s4+$0x4C00];
	v18 =	vadd.f32 v15, v20  }
0x121: {  	v15 =	vld [tilespmem:s4+$0x6C00];
	v40 =	vmul.f32 v16, v6;
	v41 =	vmul.f32 v16, v7;
	v14 =	vsub.f32 v10, v20  }
0x122: {  	v43 =	vmul.f32 v16, v8;
	v20 =	vmul.f32 v16, v3;
	v42 =	vld [tilespmem:s4+$0x8C00];
	v10 =	vadd.f32 v12, v21  }
0x123: {  	v16 =	vld [tilespmem:s4+$0xAC00];
	v19 =	vmul.f32 v14, v6;
	v12 =	vmul.f32 v14, v7;
	v21 =	vsub.f32 v11, v21  }
0x124: {  	v24 =	vadd.f32 v24, v17;
	v17 =	vsub.f32 v13, v17;
	v44 =	vld [tilespmem:s4+$0x4C10];
	v13 =	vmul.f32 v14, v8  }
0x125: {  	v14 =	vmul.f32 v14, v3;
	v45 =	vld [tilespmem:s4+$0x6C10];
	v11 =	vmul.f32 v21, v6  }
0x126: {  	v37 =	vadd.f32 v24, v37;
	v46 =	vmul.f32 v17, v6;
	v47 =	vadd.f32 v15, v24;
	v48 =	vld [tilespmem:s4+$0x8C10]  }
0x127: {  	v49 =	vmul.f32 v17, v7;
	v50 =	vmul.f32 v17, v8;
	v42 =	vadd.f32 v42, v24;
	v51 =	vld [tilespmem:s4+$0xAC10]  }
0x128: {  	v52 =	vmul.f32 v17, v3;
	v15 =	vmul.f32 v21, v7;
	v24 =	vadd.f32 v16, v24;
	v53 =	vld [tilespmem:s4+$0x4C20]  }
0x129: {  	v17 =	vmul.f32 v21, v3;
	v16 =	vmul.f32 v21, v8;
	v44 =	vadd.f32 v22, v44;
	v54 =	vld [tilespmem:s4+$0x6C20]  }
0x12a: {  	v21 =	vadd.f32 v37, v46;
	v37 =	vadd.f32 v45, v22;
	v45 =	vld [tilespmem:s4+$0x8C20]  }
0x12b: {  	v46 =	vadd.f32 v47, v49;
	v47 =	vadd.f32 v48, v22;
	v48 =	vld [tilespmem:s4+$0xAC20]  }
0x12c: {  	[tilespmem:s4+$0x4C00] =	vst v21;
	v21 =	vadd.f32 v42, v50;
	v22 =	vadd.f32 v51, v22;
	v42 =	vld [tilespmem:s4+$0x4C30]  }
0x12d: {  	v24 =	vadd.f32 v24, v52;
	[tilespmem:s4+$0x6C00] =	vst v46;
	v46 =	vadd.f32 v23, v53;
	v49 =	vld [tilespmem:s4+$0x6C30]  }
0x12e: {  	[tilespmem:s4+$0x8C00] =	vst v21;
	v21 =	vadd.f32 v44, v25;
	v25 =	vadd.f32 v54, v23;
	v44 =	vld [tilespmem:s4+$0x8C30]  }
0x12f: {  	[tilespmem:s4+$0xAC00] =	vst v24;
	v24 =	vadd.f32 v37, v26;
	v26 =	vadd.f32 v45, v23;
	v37 =	vld [tilespmem:s4+$0xAC30]  }
0x130: {  	[tilespmem:s4+$0x4C10] =	vst v21;
	v21 =	vadd.f32 v47, v27;
	v23 =	vadd.f32 v48, v23;
	v27 =	vld [tilespmem:s4+$0x4C40]  }
0x131: {  	v22 =	vadd.f32 v22, v28;
	[tilespmem:s4+$0x6C10] =	vst v24;
	v24 =	vadd.f32 v29, v42;
	v28 =	vld [tilespmem:s4+$0x6C40]  }
0x132: {  	[tilespmem:s4+$0x8C10] =	vst v21;
	v21 =	vadd.f32 v46, v30;
	v30 =	vadd.f32 v49, v29;
	v42 =	vld [tilespmem:s4+$0x8C40]  }
0x133: {  	[tilespmem:s4+$0xAC10] =	vst v22;
	v22 =	vadd.f32 v25, v31;
	v25 =	vadd.f32 v44, v29;
	v31 =	vld [tilespmem:s4+$0xAC40]  }
0x134: {  	[tilespmem:s4+$0x4C20] =	vst v21;
	v21 =	vadd.f32 v26, v32;
	v26 =	vadd.f32 v37, v29;
	v29 =	vld [tilespmem:s4+$0x4C50]  }
0x135: {  	[tilespmem:s4+$0x6C20] =	vst v22;
	v22 =	vadd.f32 v23, v33;
	v23 =	vadd.f32 v34, v27;
	v27 =	vld [tilespmem:s4+$0x6C50]  }
0x136: {  	[tilespmem:s4+$0x8C20] =	vst v21;
	v21 =	vadd.f32 v24, v35;
	v24 =	vadd.f32 v28, v34;
	v28 =	vld [tilespmem:s4+$0x8C50]  }
0x137: {  	[tilespmem:s4+$0xAC20] =	vst v22;
	v22 =	vadd.f32 v30, v36;
	v30 =	vadd.f32 v42, v34;
	v32 =	vld [tilespmem:s4+$0xAC50]  }
0x138: {  	[tilespmem:s4+$0x4C30] =	vst v21;
	v21 =	vadd.f32 v25, v38;
	v31 =	vadd.f32 v31, v34;
	v33 =	vld [tilespmem:s4+$0x4C60]  }
0x139: {  	v25 =	vadd.f32 v26, v39;
	[tilespmem:s4+$0x6C30] =	vst v22;
	v29 =	vadd.f32 v18, v29;
	v34 =	vld [tilespmem:s4+$0x6C60]  }
.Ltmp0:
0x13a: {  	v26 =	vadd.f32 v23, v40;
	[tilespmem:s4+$0x8C30] =	vst v21;
	v23 =	vadd.f32 v27, v18;
	v22 =	vld [tilespmem:s4+$0x8C60];
	(pc) =	sbr.rel @p0 .LBB2_4-.Ltmp0, $4  }
0x13b: {  	v27 =	vadd.f32 v24, v41;
	[tilespmem:s4+$0xAC30] =	vst v25;
	v24 =	vadd.f32 v28, v18;
	v21 =	vld [tilespmem:s4+$0xAC60]  }
0x13c: {  	v30 =	vadd.f32 v30, v43;
	[tilespmem:s4+$0x4C40] =	vst v26;
	v25 =	vadd.f32 v32, v18;
	v18 =	vld [tilespmem:s4+$0x4C70]  }
0x13d: {  	v28 =	vadd.f32 v31, v20;
	[tilespmem:s4+$0x6C40] =	vst v27;
	v26 =	vadd.f32 v10, v33;
	v20 =	vld [tilespmem:s4+$0x6C70]  }
0x13e: {  	s30 =	sadd.s32 $0x100, s30;
	v29 =	vadd.f32 v29, v19;
	[tilespmem:s4+$0x8C40] =	vst v30;
	v27 =	vadd.f32 v34, v10;
	v19 =	vld [tilespmem:s4+$0x8C70]  }
0x13f: {  	[tilespmem:s4+$0xAC40] =	vst v28;
	v3 =	vadd.f32 v23, v12  }
0x140: {  	v6 =	vadd.f32 v24, v13;
	[tilespmem:s4+$0x4C50] =	vst v29  }
0x141: {  	v7 =	vadd.f32 v22, v10;
	v59 =	vadd.f32 v26, v11;
	[tilespmem:s4+$0x6C50] =	vst v3  }
0x142: {  	v8 =	vadd.f32 v21, v10;
	v3 =	vadd.f32 v25, v14;
	[tilespmem:s4+$0x8C50] =	vst v6  }
0x143: {  	[tilespmem:s4+$0x4C60] =	vst v59;
	v61 =	vadd.f32 v7, v16  }
0x144: {  	s28 =	sadd.s32 $0x1, s28;
	v62 =	vadd.f32 v20, v2;
	v8 =	vadd.f32 v8, v17;
	[tilespmem:s4+$0xAC50] =	vst v3  }
0x145: {  	p0 =	sne.s32 s28, $0x8;
	v60 =	vadd.f32 v2, v18;
	v3 =	vadd.f32 v27, v15;
	[tilespmem:s4+$0x8C60] =	vst v61  }
.Ltmp1:
0x146: {  	v2 =	vadd.f32 v19, v2;
	v63 =	vadd.f32 v62, v9;
	[tilespmem:s4+$0xAC60] =	vst v8;
	(pc) =	sbr.rel @p0 .LBB2_3-.Ltmp1, $4  }
0x147: {  	[tilespmem:s4+$0x6C60] =	vst v3;
	v3 =	vadd.f32 v60, v4  }
0x148: {  	v2 =	vadd.f32 v2, v5;
	[tilespmem:s4+$0x6C70] =	vst v63  }
0x149: {  	[tilespmem:s4+$0x4C70] =	vst v3  }
0x14a: {  	s8 =	sadd.s32 $0x200, s8;
	[tilespmem:s4+$0x8C70] =	vst v2  }
0x14b: {  	s4 =	sshll.u32 s13, $0xB;
	s5 =	rddreg [dreg:$0xf]  }
0x14c: {  	s4 =	sadd.s32 s5, s4  }
0x14d: {  	s8 =	simm.s32 $0x4C00;
	s5 =	sadd.s32 s17, s4  }
0x14e: {  	[hbm4b:s5+s7] =	stream.linear.scatter [tilespmem:s8], [sflag:$0x4], $0x2000, $0x38;
	[tilespmem:$0x14C00] =	vst v63  }
0x14f: {  	s25 =	simm.s32 $0x6C00;
	s12 =	sadd.s32 s4, s21  }
0x150: {  	[hbm4b:s12+s7] =	stream.linear.scatter [tilespmem:s25], [sflag:$0x4], $0x2000, $0x38;
	[tilespmem:$0x14C00] =	vst v63  }
0x151: {  	s28 =	simm.s32 $0x8C00;
	p0 =	seq.s32 s13, $0x3;
	s26 =	sadd.s32 s4, s22  }
0x152: {  	[hbm4b:s26+s7] =	stream.linear.scatter [tilespmem:s28], [sflag:$0x4], $0x2000, $0x38;
	[tilespmem:$0x14C00] =	vst v63  }
.Ltmp2:
0x153: {  	s30 =	simm.s32 $0xAC00;
	s4 =	sadd.s32 s4, s23;
	(pc) =	sbr.rel @p0 .LBB2_8-.Ltmp2, $4  }
0x154: {  	[hbm4b:s4+s7] =	stream.linear.scatter [tilespmem:s30], [sflag:$0x4], $0x2000, $0x38;
	[tilespmem:$0x14C00] =	vst v63  }
0x155: {  	_ =	swait.ge [sflag:s0], $0x8000  }
0x156: {  	[sflag:s0] =	ssyncset.done $0x0  }
0x157: {  	[sflag:s0] =	ssyncadd.s32 $0xFFFF8000  }
0x158: {  	v2 =	vld.msk [tilespmem:s2+$0x10], $0xff;
	_ =	sdelay $0x4  }
0x159: {  	v3 =	vshll.u32 v2, $0x3  }
0x15a: {  	v2 =	vand.u32 $0x7, v2;
	v3 =	vand.u32 $0xFFFFFFC0, v3  }
0x15b: {  	v2 =	vor.u32 v2, v3  }
0x15c: {  	v2 =	vperm.xlane v2, v0;
	_ =	sdelay $0x1  }
0x15d: {  	v2 =	vadd.s32 v1, v2;
	_ =	sdelay $0x3  }
0x15e: {  	s4 =	simm.s32 $0x4C00  }
0x15f: {  	[tilespmem:s4], [sflag:$0x2] =	stream.indirect_vreg.gather [hbm4b:s1+s7], $0x80, v2, vm0, $0xb8;
	[tilespmem:$0x14C00] =	vst v63  }
0x160: {  	s25 =	simm.s32 $0x5400  }
0x161: {  	[tilespmem:s25], [sflag:$0x2] =	stream.indirect_vreg.gather [hbm4b:s16+s7], $0x80, v2, vm0, $0xb8;
	[tilespmem:$0x14C00] =	vst v63  }
0x162: {  	s26 =	simm.s32 $0x5C00  }
0x163: {  	[tilespmem:s26], [sflag:$0x2] =	stream.indirect_vreg.gather [hbm4b:s18+s7], $0x80, v2, vm0, $0xb8;
	[tilespmem:$0x14C00] =	vst v63  }
0x164: {  	s28 =	simm.s32 $0x6400  }
0x165: {  	[tilespmem:s28], [sflag:$0x2] =	stream.indirect_vreg.gather [hbm4b:s19+s7], $0x80, v2, vm0, $0xb8;
	[tilespmem:$0x14C00] =	vst v63  }
0x166: {  	v2 =	vld.msk [tilespmem:s2+$0x90], $0xff;
	_ =	sdelay $0x4  }
0x167: {  	v3 =	vshll.u32 v2, $0x3  }
0x168: {  	v2 =	vand.u32 $0x7, v2;
	v3 =	vand.u32 $0xFFFFFFC0, v3  }
0x169: {  	v2 =	vor.u32 v2, v3  }
0x16a: {  	v2 =	vperm.xlane v2, v0;
	_ =	sdelay $0x1  }
0x16b: {  	v2 =	vadd.s32 v1, v2;
	_ =	sdelay $0x3  }
0x16c: {  	s30 =	simm.s32 $0x6C00  }
0x16d: {  	[tilespmem:s30], [sflag:$0x2] =	stream.indirect_vreg.gather [hbm4b:s1+s7], $0x80, v2, vm0, $0xb8;
	[tilespmem:$0x14C00] =	vst v63  }
0x16e: {  	s5 =	simm.s32 $0x7400  }
0x16f: {  	[tilespmem:s5], [sflag:$0x2] =	stream.indirect_vreg.gather [hbm4b:s16+s7], $0x80, v2, vm0, $0xb8;
	[tilespmem:$0x14C00] =	vst v63  }
0x170: {  	s8 =	simm.s32 $0x7C00  }
0x171: {  	[tilespmem:s8], [sflag:$0x2] =	stream.indirect_vreg.gather [hbm4b:s18+s7], $0x80, v2, vm0, $0xb8;
	[tilespmem:$0x14C00] =	vst v63  }
0x172: {  	s12 =	simm.s32 $0x8400  }
0x173: {  	[tilespmem:s12], [sflag:$0x2] =	stream.indirect_vreg.gather [hbm4b:s19+s7], $0x80, v2, vm0, $0xb8;
	[tilespmem:$0x14C00] =	vst v63  }
0x174: {  	v2 =	vld.msk [tilespmem:s2+$0x110], $0xff;
	_ =	sdelay $0x4  }
0x175: {  	v3 =	vshll.u32 v2, $0x3  }
0x176: {  	v2 =	vand.u32 $0x7, v2;
	v3 =	vand.u32 $0xFFFFFFC0, v3  }
0x177: {  	v2 =	vor.u32 v2, v3  }
0x178: {  	v2 =	vperm.xlane v2, v0;
	_ =	sdelay $0x1  }
0x179: {  	v2 =	vadd.s32 v1, v2;
	_ =	sdelay $0x3  }
0x17a: {  	s25 =	simm.s32 $0x8C00  }
0x17b: {  	[tilespmem:s25], [sflag:$0x2] =	stream.indirect_vreg.gather [hbm4b:s1+s7], $0x80, v2, vm0, $0xb8;
	[tilespmem:$0x14C00] =	vst v63  }
0x17c: {  	s26 =	simm.s32 $0x9400  }
0x17d: {  	[tilespmem:s26], [sflag:$0x2] =	stream.indirect_vreg.gather [hbm4b:s16+s7], $0x80, v2, vm0, $0xb8;
	[tilespmem:$0x14C00] =	vst v63  }
0x17e: {  	s28 =	simm.s32 $0x9C00  }
0x17f: {  	[tilespmem:s28], [sflag:$0x2] =	stream.indirect_vreg.gather [hbm4b:s18+s7], $0x80, v2, vm0, $0xb8;
	[tilespmem:$0x14C00] =	vst v63  }
0x180: {  	s30 =	simm.s32 $0xA400  }
0x181: {  	[tilespmem:s30], [sflag:$0x2] =	stream.indirect_vreg.gather [hbm4b:s19+s7], $0x80, v2, vm0, $0xb8;
	[tilespmem:$0x14C00] =	vst v63  }
0x182: {  	v2 =	vld.msk [tilespmem:s2+$0x190], $0xff;
	_ =	sdelay $0x4  }
0x183: {  	v3 =	vshll.u32 v2, $0x3  }
0x184: {  	v2 =	vand.u32 $0x7, v2;
	v3 =	vand.u32 $0xFFFFFFC0, v3  }
0x185: {  	v2 =	vor.u32 v2, v3  }
0x186: {  	v2 =	vperm.xlane v2, v0;
	_ =	sdelay $0x1  }
0x187: {  	v2 =	vadd.s32 v1, v2;
	_ =	sdelay $0x3  }
0x188: {  	s5 =	simm.s32 $0xAC00  }
0x189: {  	[tilespmem:s5], [sflag:$0x2] =	stream.indirect_vreg.gather [hbm4b:s1+s7], $0x80, v2, vm0, $0xb8;
	[tilespmem:$0x14C00] =	vst v63  }
0x18a: {  	s8 =	simm.s32 $0xB400;
	s25 =	sadd.s32 $0x10, s2  }
0x18b: {  	[tilespmem:s8], [sflag:$0x2] =	stream.indirect_vreg.gather [hbm4b:s16+s7], $0x80, v2, vm0, $0xb8;
	[tilespmem:$0x14C00] =	vst v63  }
0x18c: {  	s12 =	simm.s32 $0xBC00;
	s2 =	sadd.s32 s6, s25  }
0x18d: {  	[tilespmem:s12], [sflag:$0x2] =	stream.indirect_vreg.gather [hbm4b:s18+s7], $0x80, v2, vm0, $0xb8;
	[tilespmem:$0x14C00] =	vst v63  }
0x18e: {  	s26 =	simm.s32 $0xC400;
	s28 =	rddreg [dreg:$0x4];
	s2 =	sshll.u32 s2, $0x7  }
0x18f: {  	[tilespmem:s26], [sflag:$0x2] =	stream.indirect_vreg.gather [hbm4b:s19+s7], $0x80, v2, vm0, $0xb8;
	[tilespmem:$0x14C00] =	vst v63  }
0x190: {  	s30 =	simm.s32 $0xC00;
	s2 =	sadd.s32 s28, s2  }
0x191: {  	[tilespmem:s30], [sflag:$0x6] =	stream.linear.gather [hbm4b:s2+s7], $0x2000, $0x38;
	[tilespmem:$0x14C00] =	vst v63  }
.LBB2_8:
0x192: {  	_ =	swait.ge [sflag:s9], $0x8000  }
0x193: {  	[sflag:s9] =	ssyncset.done $0x0  }
0x194: {  	[sflag:s9] =	ssyncadd.s32 $0xFFFF8000  }
0x195: {  	_ =	swait.ge [sflag:s11], $0x2000  }
0x196: {  	s13 =	sadd.s32 $0x1, s13;
	[sflag:s11] =	ssyncset.done $0x0  }
0x197: {  	s2 =	simm.s32 $0x0;
	s26 =	simm.s32 $0x0;
	[sflag:s11] =	ssyncadd.s32 $0xFFFFE000  }
.LBB2_9:
0x198: {  	s4 =	sor.u32 s14, s26  }
0x199: {  	v2 =	vld [tilespmem:s4+$0x200]  }
0x19a: {  	v3 =	vld [tilespmem:s4+$0x280]  }
0x19b: {  	v4 =	vld [tilespmem:s4+$0x300]  }
0x19c: {  	s5 =	simm.s32 $0x480;
	v5 =	vld [tilespmem:s4+$0x380]  }
0x19d: {  	v6 =	vld [tilespmem:s5+$0xFFFFFFF0]  }
0x19e: {  	v7 =	vld [tilespmem:s5+$0x70]  }
0x19f: {  	v16 =	vld [tilespmem:s5+$0x0]  }
0x1a0: {  	v17 =	vld [tilespmem:s5+$0xFFFFFF90]  }
0x1a1: {  	v18 =	vld [tilespmem:s5+$0x10]  }
0x1a2: {  	v19 =	vld [tilespmem:s5+$0xFFFFFFA0]  }
0x1a3: {  	v20 =	vld [tilespmem:s5+$0x20]  }
0x1a4: {  	v21 =	vld [tilespmem:s5+$0xFFFFFFB0]  }
0x1a5: {  	v22 =	vld [tilespmem:s5+$0x30]  }
0x1a6: {  	v23 =	vld [tilespmem:s5+$0xFFFFFFC0]  }
0x1a7: {  	v24 =	vld [tilespmem:s5+$0x40]  }
0x1a8: {  	v25 =	vld [tilespmem:s5+$0xFFFFFFD0]  }
0x1a9: {  	v27 =	vld [tilespmem:s5+$0x50]  }
0x1aa: {  	v28 =	vld [tilespmem:s5+$0xFFFFFFE0]  }
0x1ab: {  	v30 =	vld [tilespmem:s5+$0x60]  }
0x1ac: {  	s4 =	sshra.s32 s2, $0x2;
	v31 =	vld [tilespmem:s5+$0xFFFFFF80]  }
0x1ad: {  	v10 =	vld [tilespmem:s4+$0x2C00]  }
0x1ae: {  	v11 =	vld [tilespmem:s4+$0x2C20]  }
0x1af: {  	v12 =	vld [tilespmem:s4+$0x2C30]  }
0x1b0: {  	v13 =	vld [tilespmem:s4+$0x2C40]  }
0x1b1: {  	v14 =	vld [tilespmem:s4+$0x2C50];
	(v2sf) =	vpush v2, $0x0  }
0x1b2: {  	v15 =	vld [tilespmem:s4+$0x2C60]  }
0x1b3: {  	v33 =	vld [tilespmem:s4+$0xCC00];
	(v2sf) =	vpush v3, $0x0  }
0x1b4: {  	v36 =	vld [tilespmem:s4+$0xEC10];
	(v2sf) =	vpush v4, $0x0  }
0x1b5: {  	v50 =	vld [tilespmem:s4+$0x10C20];
	(v2sf) =	vpush v5, $0x0  }
0x1b6: {  	v55 =	vld [tilespmem:s4+$0x12C30]  }
0x1b7: {  	v58 =	vld [tilespmem:s4+$0xCC50];
	v26 =	vsub.f32 v7, v6  }
0x1b8: {  	v2 =	vld [tilespmem:s4+$0x2C70];
	v30 =	vsub.f32 v30, v28;
	v11 =	vadd.f32 v11, v19  }
0x1b9: {  	v19 =	vsub.f32 v20, v19;
	v12 =	vadd.f32 v12, v21;
	v20 =	vld [tilespmem:s4+$0x10C00]  }
0x1ba: {  	v21 =	vsub.f32 v22, v21;
	v13 =	vadd.f32 v13, v23;
	v5 =	vld [tilespmem:s4+$0x2C10]  }
0x1bb: {  	v22 =	vld [tilespmem:s4+$0x12C00];
	v23 =	vsub.f32 v24, v23;
	v35 =	vadd.f32 v14, v25  }
0x1bc: {  	v14 =	vld [tilespmem:s4+$0xCC10];
	v25 =	vsub.f32 v27, v25;
	v27 =	vadd.f32 v10, v31  }
0x1bd: {  	v10 =	vadd.f32 v15, v28;
	v15 =	vsub.f32 v16, v31;
	v4 =	vld [tilespmem:s4+$0x12C70]  }
0x1be: {  	v16 =	vld [tilespmem:s4+$0x10C10];
	v28 =	vadd.f32 v27, v33;
	v54 =	vadd.f32 v50, v11  }
0x1bf: {  	v32 =	vadd.f32 v5, v17;
	v17 =	vsub.f32 v18, v17;
	v18 =	vld [tilespmem:s4+$0xEC00]  }
0x1c0: {  	v57 =	vadd.f32 v55, v12;
	v2 =	vadd.f32 v2, v6;
	s8 =	spop (v2sf)  }
0x1c1: {  	v62 =	vadd.f32 v35, v58;
	v20 =	vadd.f32 v20, v27;
	s8 =	scvt.s32.f32 s8  }
0x1c2: {  	v22 =	vadd.f32 v22, v27;
	v9 =	vadd.f32 v4, v2;
	s12 =	spop (v2sf)  }
0x1c3: {  	v14 =	vadd.f32 v32, v14;
	v36 =	vadd.f32 v36, v32;
	s25 =	spop (v2sf);
	s12 =	scvt.s32.f32 s12;
	v6 =	vmov s8  }
0x1c4: {  	v16 =	vadd.f32 v16, v32;
	v18 =	vadd.f32 v18, v27;
	s28 =	spop (v2sf);
	s25 =	scvt.s32.f32 s25;
	v4 =	vmul.f32 v26, v6  }
0x1c5: {  	s28 =	scvt.s32.f32 s28;
	v7 =	vmov s12;
	v31 =	vmul.f32 v19, v6;
	v37 =	vmul.f32 v15, v6  }
0x1c6: {  	v60 =	vmul.f32 v25, v6;
	v8 =	vmov s25;
	v39 =	vmul.f32 v15, v7  }
0x1c7: {  	v49 =	vld [tilespmem:s4+$0x12C10];
	v3 =	vmov s28;
	v40 =	vmul.f32 v15, v8;
	v28 =	vadd.f32 v28, v37  }
0x1c8: {  	v38 =	vld [tilespmem:s4+$0xCC20];
	v34 =	vmul.f32 v17, v7;
	v29 =	vmul.f32 v26, v3;
	v18 =	vadd.f32 v18, v39  }
0x1c9: {  	v27 =	vld [tilespmem:s4+$0xEC20];
	v5 =	vmul.f32 v26, v8;
	v15 =	vmul.f32 v15, v3;
	[tilespmem:s4+$0xCC00] =	vst v28;
	v20 =	vadd.f32 v20, v40  }
0x1ca: {  	v29 =	vadd.f32 v9, v29;
	v9 =	vmul.f32 v26, v7;
	v26 =	vmul.f32 v17, v6;
	[tilespmem:s4+$0xEC00] =	vst v18  }
0x1cb: {  	v52 =	vld [tilespmem:s4+$0xCC30];
	v51 =	vmul.f32 v19, v7;
	v56 =	vmul.f32 v21, v7;
	v15 =	vadd.f32 v22, v15;
	[tilespmem:s4+$0x10C00] =	vst v20  }
0x1cc: {  	v24 =	vmul.f32 v17, v8;
	v28 =	vadd.f32 v49, v32;
	v22 =	vld [tilespmem:s4+$0xEC30];
	[tilespmem:s4+$0x12C70] =	vst v29;
	v14 =	vadd.f32 v14, v26  }
0x1cd: {  	v17 =	vmul.f32 v17, v3;
	v18 =	vadd.f32 v11, v38;
	v29 =	vld [tilespmem:s4+$0x12C20];
	[tilespmem:s4+$0x12C00] =	vst v15;
	v15 =	vadd.f32 v36, v34  }
0x1ce: {  	v53 =	vmul.f32 v19, v8;
	v20 =	vadd.f32 v27, v11;
	v26 =	vld [tilespmem:s4+$0x10C30];
	[tilespmem:s4+$0xCC10] =	vst v14;
	v14 =	vadd.f32 v16, v24  }
0x1cf: {  	v27 =	vmul.f32 v21, v6;
	v16 =	vld [tilespmem:s4+$0xCC40];
	v24 =	vmul.f32 v21, v8;
	[tilespmem:s4+$0xEC10] =	vst v15;
	v15 =	vadd.f32 v28, v17  }
0x1d0: {  	v61 =	vld [tilespmem:s4+$0xCC60];
	v17 =	vadd.f32 v12, v52;
	v21 =	vmul.f32 v21, v3;
	[tilespmem:s4+$0x10C10] =	vst v14;
	v14 =	vadd.f32 v18, v31  }
0x1d1: {  	v59 =	vmul.f32 v23, v8;
	v28 =	vld [tilespmem:s4+$0xEC40];
	v18 =	vadd.f32 v22, v12;
	[tilespmem:s4+$0x12C10] =	vst v15;
	v15 =	vadd.f32 v20, v51  }
0x1d2: {  	v19 =	vmul.f32 v19, v3;
	v22 =	vld [tilespmem:s4+$0x10C40];
	v21 =	vadd.f32 v57, v21;
	v11 =	vadd.f32 v29, v11;
	[tilespmem:s4+$0xCC20] =	vst v14  }
0x1d3: {  	v31 =	vmul.f32 v23, v7;
	v20 =	vadd.f32 v26, v12;
	v26 =	vld [tilespmem:s4+$0x12C40];
	v14 =	vadd.f32 v54, v53;
	[tilespmem:s4+$0xEC20] =	vst v15  }
0x1d4: {  	v29 =	vmul.f32 v23, v6;
	[tilespmem:s4+$0x12C30] =	vst v21;
	v11 =	vadd.f32 v11, v19;
	v15 =	vadd.f32 v13, v16;
	v16 =	vld [tilespmem:s4+$0xEC50]  }
0x1d5: {  	v12 =	vmul.f32 v25, v7;
	v20 =	vadd.f32 v20, v24;
	[tilespmem:s4+$0x10C20] =	vst v14;
	v14 =	vadd.f32 v17, v27;
	v27 =	vld [tilespmem:s4+$0x10C50]  }
0x1d6: {  	v19 =	vmul.f32 v23, v3;
	v17 =	vadd.f32 v28, v13;
	v28 =	vld [tilespmem:s4+$0x12C50];
	[tilespmem:s4+$0x12C20] =	vst v11;
	v11 =	vadd.f32 v18, v56  }
0x1d7: {  	v63 =	vld [tilespmem:s4+$0xEC60];
	v18 =	vadd.f32 v22, v13;
	[tilespmem:s4+$0x10C30] =	vst v20;
	v20 =	vadd.f32 v15, v29;
	v15 =	vmul.f32 v30, v7  }
0x1d8: {  	v22 =	vld [tilespmem:s4+$0x10C60];
	v29 =	vadd.f32 v62, v60;
	[tilespmem:s4+$0xCC30] =	vst v14;
	v26 =	vadd.f32 v26, v13;
	v13 =	vmul.f32 v25, v8  }
0x1d9: {  	v21 =	vld [tilespmem:s4+$0x12C60];
	v14 =	vmul.f32 v25, v3;
	v17 =	vadd.f32 v17, v31;
	[tilespmem:s4+$0xEC30] =	vst v11;
	v23 =	vadd.f32 v16, v35  }
0x1da: {  	v11 =	vmul.f32 v30, v6;
	[tilespmem:s4+$0xCC40] =	vst v20;
	v24 =	vadd.f32 v27, v35;
	v27 =	vadd.f32 v18, v59;
	v18 =	vld [tilespmem:s4+$0xCC70]  }
0x1db: {  	v20 =	vld [tilespmem:s4+$0xEC70];
	v16 =	vmul.f32 v30, v8;
	[tilespmem:s4+$0xEC40] =	vst v17;
	v25 =	vadd.f32 v28, v35;
	v28 =	vadd.f32 v26, v19  }
0x1dc: {  	s8 =	smov.u32 s2;
	s25 =	simm.s32 $0x0;
	s28 =	simm.s32 $0x580;
	v17 =	vmul.f32 v30, v3;
	v26 =	vadd.f32 v10, v61;
	v19 =	vld [tilespmem:s4+$0x10C70];
	[tilespmem:s4+$0x10C40] =	vst v27;
	v27 =	vadd.f32 v63, v10  }
.LBB2_10:
0x1dd: {  	v30 =	vld [tilespmem:s28+$0xFFFFFFF0];
	[tilespmem:s4+$0x12C40] =	vst v28;
	v12 =	vadd.f32 v23, v12;
	v22 =	vadd.f32 v22, v10;
	s8 =	sadd.s32 $0x1000, s8  }
0x1de: {  	s25 =	sadd.s32 $0x8, s25;
	v13 =	vadd.f32 v24, v13;
	s5 =	sshra.s32 s8, $0x2;
	v23 =	vld [tilespmem:s28+$0x70];
	[tilespmem:s4+$0xCC50] =	vst v29;
	v10 =	vadd.f32 v21, v10  }
0x1df: {  	p0 =	slt.u32 s25, $0x38;
	v21 =	vld [tilespmem:s5+$0x2C70];
	[tilespmem:s4+$0xEC50] =	vst v12;
	v12 =	vadd.f32 v25, v14;
	v14 =	vadd.f32 v2, v18  }
0x1e0: {  	v11 =	vadd.f32 v26, v11;
	v24 =	vld [tilespmem:s5+$0x2C00];
	[tilespmem:s4+$0x10C50] =	vst v13;
	v13 =	vadd.f32 v20, v2  }
0x1e1: {  	v18 =	vld [tilespmem:s5+$0x12C70];
	[tilespmem:s4+$0x12C50] =	vst v12;
	v12 =	vadd.f32 v27, v15;
	v15 =	vadd.f32 v19, v2  }
0x1e2: {  	v10 =	vadd.f32 v10, v17;
	v19 =	vld [tilespmem:s5+$0x2C10];
	[tilespmem:s4+$0xCC60] =	vst v11;
	v11 =	vadd.f32 v22, v16  }
0x1e3: {  	v13 =	vadd.f32 v13, v9;
	v16 =	vld [tilespmem:s5+$0x2C20];
	[tilespmem:s4+$0xEC60] =	vst v12;
	v12 =	vadd.f32 v14, v4  }
0x1e4: {  	v17 =	vsub.f32 v23, v30;
	v14 =	vld [tilespmem:s5+$0x2C30];
	v2 =	vadd.f32 v21, v30;
	[tilespmem:s4+$0x10C60] =	vst v11  }
0x1e5: {  	v11 =	vld [tilespmem:s5+$0x2C40];
	[tilespmem:s4+$0x12C60] =	vst v10;
	v10 =	vadd.f32 v15, v5  }
0x1e6: {  	v4 =	vmul.f32 v17, v6;
	v20 =	vmul.f32 v17, v3;
	v15 =	vld [tilespmem:s5+$0x2C50];
	v18 =	vadd.f32 v18, v2;
	[tilespmem:s4+$0xCC70] =	vst v12  }
0x1e7: {  	v9 =	vmul.f32 v17, v7;
	v5 =	vmul.f32 v17, v8;
	v12 =	vld [tilespmem:s5+$0x2C60];
	[tilespmem:s4+$0xEC70] =	vst v13  }
0x1e8: {  	v13 =	vld [tilespmem:s28+$0x0];
	v17 =	vadd.f32 v18, v20;
	[tilespmem:s4+$0x10C70] =	vst v10;
	s4 =	smov.u32 s5  }
0x1e9: {  	v10 =	vld [tilespmem:s28+$0xFFFFFF90]  }
0x1ea: {  	v18 =	vld [tilespmem:s28+$0x10];
	[tilespmem:s4+$0x12C70] =	vst v17  }
0x1eb: {  	v17 =	vld [tilespmem:s28+$0xFFFFFFA0]  }
0x1ec: {  	v20 =	vld [tilespmem:s28+$0x20]  }
0x1ed: {  	v21 =	vld [tilespmem:s28+$0xFFFFFFB0]  }
0x1ee: {  	v22 =	vadd.f32 v19, v10;
	v19 =	vld [tilespmem:s28+$0x30]  }
0x1ef: {  	v10 =	vsub.f32 v18, v10;
	v18 =	vld [tilespmem:s28+$0xFFFFFFC0]  }
0x1f0: {  	v23 =	vadd.f32 v16, v17;
	v16 =	vld [tilespmem:s28+$0x40]  }
0x1f1: {  	v25 =	vmul.f32 v10, v6;
	v26 =	vmul.f32 v10, v7;
	v17 =	vsub.f32 v20, v17;
	v20 =	vld [tilespmem:s28+$0xFFFFFFD0]  }
0x1f2: {  	v27 =	vmul.f32 v10, v8;
	v28 =	vmul.f32 v10, v3;
	v29 =	vadd.f32 v14, v21;
	v10 =	vld [tilespmem:s28+$0x50]  }
0x1f3: {  	v30 =	vmul.f32 v17, v6;
	v31 =	vmul.f32 v17, v7;
	v14 =	vsub.f32 v19, v21;
	v21 =	vld [tilespmem:s28+$0xFFFFFFE0]  }
0x1f4: {  	v32 =	vmul.f32 v17, v8;
	v33 =	vmul.f32 v17, v3;
	v34 =	vadd.f32 v11, v18;
	v11 =	vld [tilespmem:s28+$0x60]  }
0x1f5: {  	v17 =	vld [tilespmem:s28+$0xFFFFFF80];
	v35 =	vmul.f32 v14, v6;
	v36 =	vmul.f32 v14, v7;
	v16 =	vsub.f32 v16, v18  }
0x1f6: {  	v38 =	vmul.f32 v14, v8;
	v39 =	vmul.f32 v14, v3;
	v37 =	vld [tilespmem:s4+$0xCC00];
	v18 =	vadd.f32 v15, v20  }
0x1f7: {  	v15 =	vld [tilespmem:s4+$0xEC00];
	v40 =	vmul.f32 v16, v6;
	v41 =	vmul.f32 v16, v7;
	v14 =	vsub.f32 v10, v20  }
0x1f8: {  	v43 =	vmul.f32 v16, v8;
	v20 =	vmul.f32 v16, v3;
	v42 =	vld [tilespmem:s4+$0x10C00];
	v10 =	vadd.f32 v12, v21  }
0x1f9: {  	v16 =	vld [tilespmem:s4+$0x12C00];
	v19 =	vmul.f32 v14, v6;
	v12 =	vmul.f32 v14, v7;
	v21 =	vsub.f32 v11, v21  }
0x1fa: {  	v24 =	vadd.f32 v24, v17;
	v17 =	vsub.f32 v13, v17;
	v44 =	vld [tilespmem:s4+$0xCC10];
	v13 =	vmul.f32 v14, v8  }
0x1fb: {  	v14 =	vmul.f32 v14, v3;
	v45 =	vld [tilespmem:s4+$0xEC10];
	v11 =	vmul.f32 v21, v6  }
0x1fc: {  	v37 =	vadd.f32 v24, v37;
	v46 =	vmul.f32 v17, v6;
	v47 =	vadd.f32 v15, v24;
	v48 =	vld [tilespmem:s4+$0x10C10]  }
0x1fd: {  	v49 =	vmul.f32 v17, v7;
	v50 =	vmul.f32 v17, v8;
	v42 =	vadd.f32 v42, v24;
	v51 =	vld [tilespmem:s4+$0x12C10]  }
0x1fe: {  	v52 =	vmul.f32 v17, v3;
	v15 =	vmul.f32 v21, v7;
	v24 =	vadd.f32 v16, v24;
	v53 =	vld [tilespmem:s4+$0xCC20]  }
0x1ff: {  	v17 =	vmul.f32 v21, v3;
	v16 =	vmul.f32 v21, v8;
	v44 =	vadd.f32 v22, v44;
	v54 =	vld [tilespmem:s4+$0xEC20]  }
0x200: {  	v21 =	vadd.f32 v37, v46;
	v37 =	vadd.f32 v45, v22;
	v45 =	vld [tilespmem:s4+$0x10C20]  }
0x201: {  	v46 =	vadd.f32 v47, v49;
	v47 =	vadd.f32 v48, v22;
	v48 =	vld [tilespmem:s4+$0x12C20]  }
0x202: {  	[tilespmem:s4+$0xCC00] =	vst v21;
	v21 =	vadd.f32 v42, v50;
	v22 =	vadd.f32 v51, v22;
	v42 =	vld [tilespmem:s4+$0xCC30]  }
0x203: {  	v24 =	vadd.f32 v24, v52;
	[tilespmem:s4+$0xEC00] =	vst v46;
	v46 =	vadd.f32 v23, v53;
	v49 =	vld [tilespmem:s4+$0xEC30]  }
0x204: {  	[tilespmem:s4+$0x10C00] =	vst v21;
	v21 =	vadd.f32 v44, v25;
	v25 =	vadd.f32 v54, v23;
	v44 =	vld [tilespmem:s4+$0x10C30]  }
0x205: {  	[tilespmem:s4+$0x12C00] =	vst v24;
	v24 =	vadd.f32 v37, v26;
	v26 =	vadd.f32 v45, v23;
	v37 =	vld [tilespmem:s4+$0x12C30]  }
0x206: {  	[tilespmem:s4+$0xCC10] =	vst v21;
	v21 =	vadd.f32 v47, v27;
	v23 =	vadd.f32 v48, v23;
	v27 =	vld [tilespmem:s4+$0xCC40]  }
0x207: {  	v22 =	vadd.f32 v22, v28;
	[tilespmem:s4+$0xEC10] =	vst v24;
	v24 =	vadd.f32 v29, v42;
	v28 =	vld [tilespmem:s4+$0xEC40]  }
0x208: {  	[tilespmem:s4+$0x10C10] =	vst v21;
	v21 =	vadd.f32 v46, v30;
	v30 =	vadd.f32 v49, v29;
	v42 =	vld [tilespmem:s4+$0x10C40]  }
0x209: {  	[tilespmem:s4+$0x12C10] =	vst v22;
	v22 =	vadd.f32 v25, v31;
	v25 =	vadd.f32 v44, v29;
	v31 =	vld [tilespmem:s4+$0x12C40]  }
0x20a: {  	[tilespmem:s4+$0xCC20] =	vst v21;
	v21 =	vadd.f32 v26, v32;
	v26 =	vadd.f32 v37, v29;
	v29 =	vld [tilespmem:s4+$0xCC50]  }
0x20b: {  	[tilespmem:s4+$0xEC20] =	vst v22;
	v22 =	vadd.f32 v23, v33;
	v23 =	vadd.f32 v34, v27;
	v27 =	vld [tilespmem:s4+$0xEC50]  }
0x20c: {  	[tilespmem:s4+$0x10C20] =	vst v21;
	v21 =	vadd.f32 v24, v35;
	v24 =	vadd.f32 v28, v34;
	v28 =	vld [tilespmem:s4+$0x10C50]  }
0x20d: {  	[tilespmem:s4+$0x12C20] =	vst v22;
	v22 =	vadd.f32 v30, v36;
	v30 =	vadd.f32 v42, v34;
	v32 =	vld [tilespmem:s4+$0x12C50]  }
0x20e: {  	[tilespmem:s4+$0xCC30] =	vst v21;
	v21 =	vadd.f32 v25, v38;
	v31 =	vadd.f32 v31, v34;
	v33 =	vld [tilespmem:s4+$0xCC60]  }
0x20f: {  	v25 =	vadd.f32 v26, v39;
	[tilespmem:s4+$0xEC30] =	vst v22;
	v29 =	vadd.f32 v18, v29;
	v34 =	vld [tilespmem:s4+$0xEC60]  }
.Ltmp3:
0x210: {  	v26 =	vadd.f32 v23, v40;
	[tilespmem:s4+$0x10C30] =	vst v21;
	v23 =	vadd.f32 v27, v18;
	v22 =	vld [tilespmem:s4+$0x10C60];
	(pc) =	sbr.rel @p0 .LBB2_10-.Ltmp3, $4  }
0x211: {  	v27 =	vadd.f32 v24, v41;
	[tilespmem:s4+$0x12C30] =	vst v25;
	v24 =	vadd.f32 v28, v18;
	v21 =	vld [tilespmem:s4+$0x12C60]  }
0x212: {  	v30 =	vadd.f32 v30, v43;
	[tilespmem:s4+$0xCC40] =	vst v26;
	v25 =	vadd.f32 v32, v18;
	v18 =	vld [tilespmem:s4+$0xCC70]  }
0x213: {  	v28 =	vadd.f32 v31, v20;
	[tilespmem:s4+$0xEC40] =	vst v27;
	v26 =	vadd.f32 v10, v33;
	v20 =	vld [tilespmem:s4+$0xEC70]  }
0x214: {  	s28 =	sadd.s32 $0x100, s28;
	v29 =	vadd.f32 v29, v19;
	[tilespmem:s4+$0x10C40] =	vst v30;
	v27 =	vadd.f32 v34, v10;
	v19 =	vld [tilespmem:s4+$0x10C70]  }
0x215: {  	[tilespmem:s4+$0x12C40] =	vst v28;
	v3 =	vadd.f32 v23, v12  }
0x216: {  	v6 =	vadd.f32 v24, v13;
	[tilespmem:s4+$0xCC50] =	vst v29  }
0x217: {  	v7 =	vadd.f32 v22, v10;
	v59 =	vadd.f32 v26, v11;
	[tilespmem:s4+$0xEC50] =	vst v3  }
0x218: {  	v8 =	vadd.f32 v21, v10;
	v3 =	vadd.f32 v25, v14;
	[tilespmem:s4+$0x10C50] =	vst v6  }
0x219: {  	[tilespmem:s4+$0xCC60] =	vst v59;
	v61 =	vadd.f32 v7, v16  }
0x21a: {  	s26 =	sadd.s32 $0x1, s26;
	v62 =	vadd.f32 v20, v2;
	v8 =	vadd.f32 v8, v17;
	[tilespmem:s4+$0x12C50] =	vst v3  }
0x21b: {  	p0 =	sne.s32 s26, $0x8;
	v60 =	vadd.f32 v2, v18;
	v3 =	vadd.f32 v27, v15;
	[tilespmem:s4+$0x10C60] =	vst v61  }
.Ltmp4:
0x21c: {  	v2 =	vadd.f32 v19, v2;
	v63 =	vadd.f32 v62, v9;
	[tilespmem:s4+$0x12C60] =	vst v8;
	(pc) =	sbr.rel @p0 .LBB2_9-.Ltmp4, $4  }
0x21d: {  	[tilespmem:s4+$0xEC60] =	vst v3;
	v3 =	vadd.f32 v60, v4  }
0x21e: {  	v2 =	vadd.f32 v2, v5;
	[tilespmem:s4+$0xEC70] =	vst v63  }
0x21f: {  	[tilespmem:s4+$0xCC70] =	vst v3  }
0x220: {  	s2 =	sadd.s32 $0x200, s2;
	[tilespmem:s4+$0x10C70] =	vst v2  }
0x221: {  	s2 =	sadd.s32 s17, s20  }
0x222: {  	[hbm4b:s2+s7] =	stream.linear.scatter [tilespmem:s24], [sflag:$0x5], $0x2000, $0x38;
	[tilespmem:$0x14C00] =	vst v63  }
0x223: {  	s26 =	sadd.s32 s20, s21;
	p0 =	sne.s32 s13, $0x4  }
0x224: {  	[hbm4b:s26+s7] =	stream.linear.scatter [tilespmem:s31], [sflag:$0x5], $0x2000, $0x38;
	[tilespmem:$0x14C00] =	vst v63  }
.Ltmp5:
0x225: {  	_ = 	snop;
	(pc) =	sbr.rel @p0 .LBB2_2-.Ltmp5, $4  }
0x226: {  	s28 =	sadd.s32 s20, s22  }
0x227: {  	[hbm4b:s28+s7] =	stream.linear.scatter [tilespmem:s10], [sflag:$0x5], $0x2000, $0x38;
	[tilespmem:$0x14C00] =	vst v63  }
0x228: {  	s30 =	sadd.s32 s20, s23  }
0x229: {  	[hbm4b:s30+s7] =	stream.linear.scatter [tilespmem:s15], [sflag:$0x5], $0x2000, $0x38;
	[tilespmem:$0x14C00] =	vst v63  }
0x22a: {  	s4 =	simm.s32 $0x5  }
0x22b: {  	_ =	swait.ge [sflag:s4], $0x8000  }
0x22c: {  	s5 =	rddreg [dreg:$0x12]  }
0x22d: {  	s2 =	rddreg [dreg:$0x11];
	s5 =	sadd.s32 $0x1, s5  }
0x22e: {  	p0 =	sne.s32 s5, s2  }
.Ltmp6:
0x22f: {  	_ = 	snop;
	(pc) =	sbr.rel @p0 .LBB2_1-.Ltmp6, $3  }
0x230: {  	_ =	sdelay $0x1  }
0x231: {  	[sflag:s4] =	ssyncset.done $0x0  }
0x232: {  	[sflag:s4] =	ssyncadd.s32 $0xFFFF8000  }
0x233: {  	_ =	sfence.sel $0x180000  }
0x234: {  	[bflag:$0x0] =	sbarrier.arrive $0xFFFF  }
0x235: {  	_ =	strace $0x90000047  }
0x236: {  	s0 =	stileid.u32;
	[bflag:$0x2] =	sbarrier.arrive $0xFFFF  }
0x237: {  	p0 =	sne.s32 s0, $0x0;
	s0 =	rddreg [dreg:$0x6]  }
0x238: {  	s0 =	sadd.s32 @!p0 $0x100000, s0  }
0x239: {  	[sflag:s0] =	ssyncadd.tile.s32 @!p0 $0x1;
	_ =	shalt  }
.Lfunc_end2:
_tile_overlayer_lowered:
.L_overlay_start_2:
0x23a: {  	(tag) =	ssettag $0x2  }
0x23b: {  	s0 =	rddreg [dreg:$0x0];
	s2 =	stileid.u32  }
0x23c: {  	s1 =	rddreg [dreg:$0x1];
	p0 =	sne.s32 s2, $0x0  }
0x23d: {  	s3 =	rddreg [dreg:$0x2];
	[bflag:$0x3] =	sbarrier.arrive $0xFFFF;
	s2 =	simm.s32 @!p0 $0x1C08  }
0x23e: {  	[timem:s3], [sflag:s2] =	dma.local @!p0 [hbm:s0], s1  }
0x23f: {  	s0 =	simm.s32 @!p0 $0x8  }
0x240: {  	_ =	swait.ge @!p0 [sflag:s0], s1  }
0x241: {  	s1 =	ssub.s32 @!p0 $0x0, s1;
	[sflag:s0] =	ssyncset.done @!p0 $0x0  }
0x242: {  	[sflag:s0] =	ssyncadd.s32 @!p0 s1  }
0x243: {  	[bflag:$0x3] =	sbarrier.arrive $0xFFFF  }
0x244: {  	_ =	shalt  }

</sc_bundles>
